<compile_context>
chip_gen: v7x
topology: tpu7x:2x2x1
jax: 0.10.2.dev20260603
libtpu: 0.0.44.dev20260713+nightly
codegen_flags: <defaults>
</compile_context>

<pallas_src>
import functools

import jax
import jax.numpy as jnp
from jax import lax
from jax.experimental import pallas as pl
from jax.experimental.pallas import tpu as pltpu
from jax.experimental.pallas import tpu_sc as plsc

L = 16
NC, NS = 2, 16
NW = NC * NS
C = 4096
ROWS = 4 * 4096
ROWS_PER_W = ROWS // NW
CHUNK = 4
NCHUNK = ROWS_PER_W // CHUNK
NB = 3
NGROUP = (NCHUNK + NB - 1) // NB

_mesh = plsc.VectorSubcoreMesh(
    core_axis_name="c", subcore_axis_name="s", num_cores=NC, num_subcores=NS
)


@functools.partial(
    pl.kernel,
    out_type=jax.ShapeDtypeStruct((ROWS, C), jnp.float32),
    mesh=_mesh,
    scratch_types=[
        pltpu.VMEM((C,), jnp.int32),
        pltpu.VMEM((CHUNK, C), jnp.float32),
        pltpu.VMEM((CHUNK, C), jnp.float32),
        pltpu.VMEM((CHUNK, C), jnp.float32),
        pltpu.VMEM((CHUNK, C), jnp.float32),
        pltpu.VMEM((CHUNK, C), jnp.float32),
        pltpu.VMEM((CHUNK, C), jnp.float32),
        pltpu.SemaphoreType.DMA,
        pltpu.SemaphoreType.DMA,
        pltpu.SemaphoreType.DMA,
        pltpu.SemaphoreType.DMA,
        pltpu.SemaphoreType.DMA,
        pltpu.SemaphoreType.DMA,
    ],
    compiler_params=pltpu.CompilerParams(needs_layout_passes=False),
)
def _shuffle_sc(x_hbm, idx_hbm, out_hbm, idx_v, in0, in1, in2,
                out0, out1, out2, isem0, isem1, isem2, osem0, osem1, osem2):
    wid = lax.axis_index("s") * NC + lax.axis_index("c")

    ins = (in0, in1, in2)
    outs = (out0, out1, out2)
    isems = (isem0, isem1, isem2)
    osems = (osem0, osem1, osem2)

    pltpu.sync_copy(idx_hbm, idx_v)

    def start_in(g, b):
        row0 = (g * NW + wid) * CHUNK
        pltpu.async_copy(x_hbm.at[pl.ds(row0, CHUNK), :], ins[b], isems[b])

    def wait_in(g, b):
        row0 = (g * NW + wid) * CHUNK
        pltpu.make_async_copy(
            x_hbm.at[pl.ds(row0, CHUNK), :], ins[b], isems[b]
        ).wait()

    def start_out(g, b):
        row0 = (g * NW + wid) * CHUNK
        pltpu.async_copy(outs[b], out_hbm.at[pl.ds(row0, CHUNK), :], osems[b])

    def wait_out(g, b):
        row0 = (g * NW + wid) * CHUNK
        pltpu.make_async_copy(
            outs[b], out_hbm.at[pl.ds(row0, CHUNK), :], osems[b]
        ).wait()

    def compute(b):
        in_v = ins[b]
        out_v = outs[b]

        @plsc.parallel_loop(0, C // L, unroll=8)
        def _(j):
            col = j * L
            idxv = idx_v[pl.ds(col, L)]
            for r in range(CHUNK):
                rvec = jnp.full((L,), r, jnp.int32)
                out_v[r, pl.ds(col, L)] = plsc.load_gather(in_v, [rvec, idxv])

    for b in range(NB):
        start_in(b, b)

    def group_body(t, _):
        for b in range(NB):
            g = NB * t + b

            @pl.when(g < NCHUNK)
            def _():
                @pl.when(g >= NB)
                def _():
                    wait_out(g - NB, b)

                wait_in(g, b)
                compute(b)
                start_out(g, b)

                @pl.when(g + NB < NCHUNK)
                def _():
                    start_in(g + NB, b)

        return 0

    lax.fori_loop(0, NGROUP, group_body, 0)
    for i in range(NB):
        g = NCHUNK - NB + i
        wait_out(g, g % NB)


def kernel(x, forward_shuffle_idx):
    x2 = x.reshape(ROWS, C)
    out = _shuffle_sc(x2, forward_shuffle_idx)
    return out.reshape(x.shape)

# --- scband reference (transcript-rebuilt; emitter-appended) ---
"""Pipeline reference for scband-shuffle-10161892623146 (READ-ONLY COPY).

The authoritative reference and input builder live on the scoring server;
editing this copy changes nothing except your own understanding.
"""

import jax, jax.numpy as jnp
import numpy as np


def setup_inputs(seed: int = 0) -> dict:
    key = jax.random.key(seed)
    k1, k2 = jax.random.split(key)
    x = jax.random.normal(k1, (4, 4096, 4096), dtype=jnp.float32)
    # buffer created in __init__: torch.randperm(in_channels)
    forward_shuffle_idx = jax.random.permutation(k2, 4096).astype(jnp.int32)
    return {"x": x, "forward_shuffle_idx": forward_shuffle_idx}


def reference(x, forward_shuffle_idx):
    # forward (reverse=False): x[..., forward_shuffle_idx] -> gather along last dim
    return jnp.take(x, forward_shuffle_idx, axis=-1)

if __name__ == "__main__":
    import jax
    _d = setup_inputs()
    print(jax.jit(kernel)(*tuple(_d.values())))

</pallas_src>

<mosaic_0001>
#map = affine_map<(d0, d1) -> (0, 0)>
#map1 = affine_map<(d0, d1) -> (0)>
module attributes {stable_mosaic.version = 14 : i64} {
  func.func @_shuffle_sc(%arg0: i32, %arg1: i32, %arg2: memref<16384x4096xf32, #tpu.memory_space<hbm>>, %arg3: memref<4096xi32, #tpu.memory_space<hbm>>, %arg4: memref<16384x4096xf32, #tpu.memory_space<hbm>>, %arg5: memref<4096xi32, #tpu.memory_space<vmem>>, %arg6: memref<4x4096xf32, #tpu.memory_space<vmem>>, %arg7: memref<4x4096xf32, #tpu.memory_space<vmem>>, %arg8: memref<4x4096xf32, #tpu.memory_space<vmem>>, %arg9: memref<4x4096xf32, #tpu.memory_space<vmem>>, %arg10: memref<4x4096xf32, #tpu.memory_space<vmem>>, %arg11: memref<4x4096xf32, #tpu.memory_space<vmem>>, %arg12: memref<!tpu.dma_semaphore, #tpu.memory_space<semaphore_mem>>, %arg13: memref<!tpu.dma_semaphore, #tpu.memory_space<semaphore_mem>>, %arg14: memref<!tpu.dma_semaphore, #tpu.memory_space<semaphore_mem>>, %arg15: memref<!tpu.dma_semaphore, #tpu.memory_space<semaphore_mem>>, %arg16: memref<!tpu.dma_semaphore, #tpu.memory_space<semaphore_mem>>, %arg17: memref<!tpu.dma_semaphore, #tpu.memory_space<semaphore_mem>>) attributes {dimension_semantics = [#tpu.dimension_semantics<core_parallel>, #tpu.dimension_semantics<subcore_parallel>], iteration_bounds = array<i64: 2, 16>, scalar_prefetch = 0 : i64, scratch_operands = 13 : i64, tpu.core_type = #tpu.core_type<sc_vector_subcore>, window_params = [{transform_indices = #map}, {transform_indices = #map1}, {transform_indices = #map}]} {
    %mul3A = arith.constant 2 : i32
    %mul3A_0 = arith.muli %arg1, %mul3A : i32
    %add3A = arith.addi %mul3A_0, %arg0 : i32
    "tpu.region"() ({
      %run_scoped3A = tpu.sem_alloc : memref<!tpu.dma_semaphore, #tpu.memory_space<semaphore_mem>>
      tpu.enqueue_dma source(%arg3 : memref<4096xi32, #tpu.memory_space<hbm>>) target(%arg5 : memref<4096xi32, #tpu.memory_space<vmem>>) target_semaphore(%run_scoped3A : memref<!tpu.dma_semaphore, #tpu.memory_space<semaphore_mem>>)
      tpu.wait_dma2 semaphore(%run_scoped3A : memref<!tpu.dma_semaphore, #tpu.memory_space<semaphore_mem>>) src(%arg3 : memref<4096xi32, #tpu.memory_space<hbm>>) dst(%arg5 : memref<4096xi32, #tpu.memory_space<vmem>>)
      tpu.yield
    }) : () -> ()
    %add3A_1 = arith.constant 0 : i32
    %add3A_2 = arith.addi %add3A_1, %add3A : i32
    %mul3A_3 = arith.constant 4 : i32
    %mul3A_4 = arith.muli %add3A_2, %mul3A_3 : i32
    %dma_start3A = arith.constant 0 : i32
    %dma_start3A_5 = tpu.memref_slice %arg2[%mul3A_4, %dma_start3A] : memref<16384x4096xf32, #tpu.memory_space<hbm>> -> memref<4x4096xf32, #tpu.memory_space<hbm>>
    %dma_start3A_6 = arith.constant 0 : i32
    %dma_start3A_7 = tpu.memref_slice %arg2[%mul3A_4, %dma_start3A_6] : memref<16384x4096xf32, #tpu.memory_space<hbm>> -> memref<4x4096xf32, #tpu.memory_space<hbm>>
    tpu.enqueue_dma source(%dma_start3A_7 : memref<4x4096xf32, #tpu.memory_space<hbm>>) target(%arg6 : memref<4x4096xf32, #tpu.memory_space<vmem>>) target_semaphore(%arg12 : memref<!tpu.dma_semaphore, #tpu.memory_space<semaphore_mem>>)
    %add3A_8 = arith.constant 32 : i32
    %add3A_9 = arith.addi %add3A_8, %add3A : i32
    %mul3A_10 = arith.constant 4 : i32
    %mul3A_11 = arith.muli %add3A_9, %mul3A_10 : i32
    %dma_start3A_12 = arith.constant 0 : i32
    %dma_start3A_13 = tpu.memref_slice %arg2[%mul3A_11, %dma_start3A_12] : memref<16384x4096xf32, #tpu.memory_space<hbm>> -> memref<4x4096xf32, #tpu.memory_space<hbm>>
    %dma_start3A_14 = arith.constant 0 : i32
    %dma_start3A_15 = tpu.memref_slice %arg2[%mul3A_11, %dma_start3A_14] : memref<16384x4096xf32, #tpu.memory_space<hbm>> -> memref<4x4096xf32, #tpu.memory_space<hbm>>
    tpu.enqueue_dma source(%dma_start3A_15 : memref<4x4096xf32, #tpu.memory_space<hbm>>) target(%arg7 : memref<4x4096xf32, #tpu.memory_space<vmem>>) target_semaphore(%arg13 : memref<!tpu.dma_semaphore, #tpu.memory_space<semaphore_mem>>)
    %add3A_16 = arith.constant 64 : i32
    %add3A_17 = arith.addi %add3A_16, %add3A : i32
    %mul3A_18 = arith.constant 4 : i32
    %mul3A_19 = arith.muli %add3A_17, %mul3A_18 : i32
    %dma_start3A_20 = arith.constant 0 : i32
    %dma_start3A_21 = tpu.memref_slice %arg2[%mul3A_19, %dma_start3A_20] : memref<16384x4096xf32, #tpu.memory_space<hbm>> -> memref<4x4096xf32, #tpu.memory_space<hbm>>
    %dma_start3A_22 = arith.constant 0 : i32
    %dma_start3A_23 = tpu.memref_slice %arg2[%mul3A_19, %dma_start3A_22] : memref<16384x4096xf32, #tpu.memory_space<hbm>> -> memref<4x4096xf32, #tpu.memory_space<hbm>>
    tpu.enqueue_dma source(%dma_start3A_23 : memref<4x4096xf32, #tpu.memory_space<hbm>>) target(%arg8 : memref<4x4096xf32, #tpu.memory_space<vmem>>) target_semaphore(%arg14 : memref<!tpu.dma_semaphore, #tpu.memory_space<semaphore_mem>>)
    %scan3A = arith.constant 0 : i32
    %scan3A_24 = arith.constant 0 : i32
    %scan3A_25 = arith.constant 43 : i32
    %scan3A_26 = arith.addi %scan3A_24, %scan3A_25 : i32
    %scan3A_27 = arith.constant 1 : i32
    %scan3A_28 = scf.for %scan3A_53 = %scan3A_24 to %scan3A_26 step %scan3A_27 iter_args(%scan3A_54 = %scan3A) -> (i32)  : i32 {
      %mul3A_55 = arith.constant 3 : i32
      %mul3A_56 = arith.muli %mul3A_55, %scan3A_53 : i32
      %add3A_57 = arith.constant 0 : i32
      %add3A_58 = arith.addi %mul3A_56, %add3A_57 : i32
      %lt3A = arith.constant 128 : i32
      %lt3A_59 = arith.cmpi slt, %add3A_58, %lt3A : i32
      %convert_element_type3A = arith.extui %lt3A_59 : i1 to i32
      %cond3A = arith.constant 0 : i32
      %cond3A_60 = arith.cmpi ne, %convert_element_type3A, %cond3A : i32
      scf.if %cond3A_60 {
        %ge3A = arith.constant 3 : i32
        %ge3A_80 = arith.cmpi sge, %add3A_58, %ge3A : i32
        %convert_element_type3A_81 = arith.extui %ge3A_80 : i1 to i32
        %cond3A_82 = arith.constant 0 : i32
        %cond3A_83 = arith.cmpi ne, %convert_element_type3A_81, %cond3A_82 : i32
        scf.if %cond3A_83 {
          %sub3A = arith.constant 3 : i32
          %sub3A_111 = arith.subi %add3A_58, %sub3A : i32
          %mul3A_112 = arith.constant 32 : i32
          %mul3A_113 = arith.muli %sub3A_111, %mul3A_112 : i32
          %add3A_114 = arith.addi %mul3A_113, %add3A : i32
          %mul3A_115 = arith.constant 4 : i32
          %mul3A_116 = arith.muli %add3A_114, %mul3A_115 : i32
          %dma_wait3A_117 = arith.constant 0 : i32
          %dma_wait3A_118 = tpu.memref_slice %arg4[%mul3A_116, %dma_wait3A_117] : memref<16384x4096xf32, #tpu.memory_space<hbm>> -> memref<4x4096xf32, #tpu.memory_space<hbm>>
          %dma_wait3A_119 = arith.constant 0 : i32
          %dma_wait3A_120 = tpu.memref_slice %arg4[%mul3A_116, %dma_wait3A_119] : memref<16384x4096xf32, #tpu.memory_space<hbm>> -> memref<4x4096xf32, #tpu.memory_space<hbm>>
          tpu.wait_dma2 semaphore(%arg15 : memref<!tpu.dma_semaphore, #tpu.memory_space<semaphore_mem>>) src(%arg9 : memref<4x4096xf32, #tpu.memory_space<vmem>>) dst(%dma_wait3A_120 : memref<4x4096xf32, #tpu.memory_space<hbm>>)
        } else {
        }
        %mul3A_84 = arith.constant 32 : i32
        %mul3A_85 = arith.muli %add3A_58, %mul3A_84 : i32
        %add3A_86 = arith.addi %mul3A_85, %add3A : i32
        %mul3A_87 = arith.constant 4 : i32
        %mul3A_88 = arith.muli %add3A_86, %mul3A_87 : i32
        %dma_wait3A_89 = arith.constant 0 : i32
        %dma_wait3A_90 = tpu.memref_slice %arg2[%mul3A_88, %dma_wait3A_89] : memref<16384x4096xf32, #tpu.memory_space<hbm>> -> memref<4x4096xf32, #tpu.memory_space<hbm>>
        %dma_wait3A_91 = arith.constant 0 : i32
        %dma_wait3A_92 = tpu.memref_slice %arg2[%mul3A_88, %dma_wait3A_91] : memref<16384x4096xf32, #tpu.memory_space<hbm>> -> memref<4x4096xf32, #tpu.memory_space<hbm>>
        tpu.wait_dma2 semaphore(%arg12 : memref<!tpu.dma_semaphore, #tpu.memory_space<semaphore_mem>>) src(%dma_wait3A_92 : memref<4x4096xf32, #tpu.memory_space<hbm>>) dst(%arg6 : memref<4x4096xf32, #tpu.memory_space<vmem>>)
        %parallel_loop3A = arith.constant 0 : i32
        %parallel_loop3A_93 = arith.constant 256 : i32
        %parallel_loop3A_94 = arith.constant 1 : i32
        scf.for %parallel_loop3A_111 = %parallel_loop3A to %parallel_loop3A_93 step %parallel_loop3A_94  : i32 {
          %parallel_loop3A_112 = arith.constant 16 : i32
          %parallel_loop3A_113 = arith.muli %parallel_loop3A_111, %parallel_loop3A_112 : i32
          %parallel_loop3A_114 = arith.index_cast %parallel_loop3A_113 : i32 to index
          %parallel_loop3A_115 = tpu.vector_load %arg5[%parallel_loop3A_114] {strides = array<i32>} : memref<4096xi32, #tpu.memory_space<vmem>>, vector<16xi32>,
          %parallel_loop3A_116 = arith.constant 0 : i32
          %parallel_loop3A_117 = vector.broadcast %parallel_loop3A_116 : i32 to vector<16xi32>
          %parallel_loop3A_118 = tpu.vector_load_idx %arg6[%parallel_loop3A_117, %parallel_loop3A_115] : memref<4x4096xf32, #tpu.memory_space<vmem>>[vector<16xi32>, vector<16xi32>], vector<16xf32>,
          %parallel_loop3A_119 = arith.constant 0 : i32
          %parallel_loop3A_120 = arith.index_cast %parallel_loop3A_119 : i32 to index
          %parallel_loop3A_121 = arith.index_cast %parallel_loop3A_113 : i32 to index
          %parallel_loop3A_122 = tpu.vector_load %arg9[%parallel_loop3A_120, %parallel_loop3A_121] {strides = array<i32>} : memref<4x4096xf32, #tpu.memory_space<vmem>>, vector<16xf32>,
          tpu.vector_store %arg9[%parallel_loop3A_120, %parallel_loop3A_121], %parallel_loop3A_118 {strides = array<i32>} : memref<4x4096xf32, #tpu.memory_space<vmem>>, vector<16xf32>,
          %parallel_loop3A_123 = arith.constant 1 : i32
          %parallel_loop3A_124 = vector.broadcast %parallel_loop3A_123 : i32 to vector<16xi32>
          %parallel_loop3A_125 = tpu.vector_load_idx %arg6[%parallel_loop3A_124, %parallel_loop3A_115] : memref<4x4096xf32, #tpu.memory_space<vmem>>[vector<16xi32>, vector<16xi32>], vector<16xf32>,
          %parallel_loop3A_126 = arith.constant 1 : i32
          %parallel_loop3A_127 = arith.index_cast %parallel_loop3A_126 : i32 to index
          %parallel_loop3A_128 = arith.index_cast %parallel_loop3A_113 : i32 to index
          %parallel_loop3A_129 = tpu.vector_load %arg9[%parallel_loop3A_127, %parallel_loop3A_128] {strides = array<i32>} : memref<4x4096xf32, #tpu.memory_space<vmem>>, vector<16xf32>,
          tpu.vector_store %arg9[%parallel_loop3A_127, %parallel_loop3A_128], %parallel_loop3A_125 {strides = array<i32>} : memref<4x4096xf32, #tpu.memory_space<vmem>>, vector<16xf32>,
          %parallel_loop3A_130 = arith.constant 2 : i32
          %parallel_loop3A_131 = vector.broadcast %parallel_loop3A_130 : i32 to vector<16xi32>
          %parallel_loop3A_132 = tpu.vector_load_idx %arg6[%parallel_loop3A_131, %parallel_loop3A_115] : memref<4x4096xf32, #tpu.memory_space<vmem>>[vector<16xi32>, vector<16xi32>], vector<16xf32>,
          %parallel_loop3A_133 = arith.constant 2 : i32
          %parallel_loop3A_134 = arith.index_cast %parallel_loop3A_133 : i32 to index
          %parallel_loop3A_135 = arith.index_cast %parallel_loop3A_113 : i32 to index
          %parallel_loop3A_136 = tpu.vector_load %arg9[%parallel_loop3A_134, %parallel_loop3A_135] {strides = array<i32>} : memref<4x4096xf32, #tpu.memory_space<vmem>>, vector<16xf32>,
          tpu.vector_store %arg9[%parallel_loop3A_134, %parallel_loop3A_135], %parallel_loop3A_132 {strides = array<i32>} : memref<4x4096xf32, #tpu.memory_space<vmem>>, vector<16xf32>,
          %parallel_loop3A_137 = arith.constant 3 : i32
          %parallel_loop3A_138 = vector.broadcast %parallel_loop3A_137 : i32 to vector<16xi32>
          %parallel_loop3A_139 = tpu.vector_load_idx %arg6[%parallel_loop3A_138, %parallel_loop3A_115] : memref<4x4096xf32, #tpu.memory_space<vmem>>[vector<16xi32>, vector<16xi32>], vector<16xf32>,
          %parallel_loop3A_140 = arith.constant 3 : i32
          %parallel_loop3A_141 = arith.index_cast %parallel_loop3A_140 : i32 to index
          %parallel_loop3A_142 = arith.index_cast %parallel_loop3A_113 : i32 to index
          %parallel_loop3A_143 = tpu.vector_load %arg9[%parallel_loop3A_141, %parallel_loop3A_142] {strides = array<i32>} : memref<4x4096xf32, #tpu.memory_space<vmem>>, vector<16xf32>,
          tpu.vector_store %arg9[%parallel_loop3A_141, %parallel_loop3A_142], %parallel_loop3A_139 {strides = array<i32>} : memref<4x4096xf32, #tpu.memory_space<vmem>>, vector<16xf32>,
        } {sc.loop_unroll_factor = 8 : i64, sc.parallel_access}
        %mul3A_95 = arith.constant 32 : i32
        %mul3A_96 = arith.muli %add3A_58, %mul3A_95 : i32
        %add3A_97 = arith.addi %mul3A_96, %add3A : i32
        %mul3A_98 = arith.constant 4 : i32
        %mul3A_99 = arith.muli %add3A_97, %mul3A_98 : i32
        %dma_start3A_100 = arith.constant 0 : i32
        %dma_start3A_101 = tpu.memref_slice %arg4[%mul3A_99, %dma_start3A_100] : memref<16384x4096xf32, #tpu.memory_space<hbm>> -> memref<4x4096xf32, #tpu.memory_space<hbm>>
        %dma_start3A_102 = arith.constant 0 : i32
        %dma_start3A_103 = tpu.memref_slice %arg4[%mul3A_99, %dma_start3A_102] : memref<16384x4096xf32, #tpu.memory_space<hbm>> -> memref<4x4096xf32, #tpu.memory_space<hbm>>
        tpu.enqueue_dma source(%arg9 : memref<4x4096xf32, #tpu.memory_space<vmem>>) target(%dma_start3A_103 : memref<4x4096xf32, #tpu.memory_space<hbm>>) target_semaphore(%arg15 : memref<!tpu.dma_semaphore, #tpu.memory_space<semaphore_mem>>)
        %add3A_104 = arith.constant 3 : i32
        %add3A_105 = arith.addi %add3A_58, %add3A_104 : i32
        %lt3A_106 = arith.constant 128 : i32
        %lt3A_107 = arith.cmpi slt, %add3A_105, %lt3A_106 : i32
        %convert_element_type3A_108 = arith.extui %lt3A_107 : i1 to i32
        %cond3A_109 = arith.constant 0 : i32
        %cond3A_110 = arith.cmpi ne, %convert_element_type3A_108, %cond3A_109 : i32
        scf.if %cond3A_110 {
          %add3A_111 = arith.constant 3 : i32
          %add3A_112 = arith.addi %add3A_58, %add3A_111 : i32
          %mul3A_113 = arith.constant 32 : i32
          %mul3A_114 = arith.muli %add3A_112, %mul3A_113 : i32
          %add3A_115 = arith.addi %mul3A_114, %add3A : i32
          %mul3A_116 = arith.constant 4 : i32
          %mul3A_117 = arith.muli %add3A_115, %mul3A_116 : i32
          %dma_start3A_118 = arith.constant 0 : i32
          %dma_start3A_119 = tpu.memref_slice %arg2[%mul3A_117, %dma_start3A_118] : memref<16384x4096xf32, #tpu.memory_space<hbm>> -> memref<4x4096xf32, #tpu.memory_space<hbm>>
          %dma_start3A_120 = arith.constant 0 : i32
          %dma_start3A_121 = tpu.memref_slice %arg2[%mul3A_117, %dma_start3A_120] : memref<16384x4096xf32, #tpu.memory_space<hbm>> -> memref<4x4096xf32, #tpu.memory_space<hbm>>
          tpu.enqueue_dma source(%dma_start3A_121 : memref<4x4096xf32, #tpu.memory_space<hbm>>) target(%arg6 : memref<4x4096xf32, #tpu.memory_space<vmem>>) target_semaphore(%arg12 : memref<!tpu.dma_semaphore, #tpu.memory_space<semaphore_mem>>)
        } else {
        }
      } else {
      }
      %mul3A_61 = arith.constant 3 : i32
      %mul3A_62 = arith.muli %mul3A_61, %scan3A_53 : i32
      %add3A_63 = arith.constant 1 : i32
      %add3A_64 = arith.addi %mul3A_62, %add3A_63 : i32
      %lt3A_65 = arith.constant 128 : i32
      %lt3A_66 = arith.cmpi slt, %add3A_64, %lt3A_65 : i32
      %convert_element_type3A_67 = arith.extui %lt3A_66 : i1 to i32
      %cond3A_68 = arith.constant 0 : i32
      %cond3A_69 = arith.cmpi ne, %convert_element_type3A_67, %cond3A_68 : i32
      scf.if %cond3A_69 {
        %ge3A = arith.constant 3 : i32
        %ge3A_80 = arith.cmpi sge, %add3A_64, %ge3A : i32
        %convert_element_type3A_81 = arith.extui %ge3A_80 : i1 to i32
        %cond3A_82 = arith.constant 0 : i32
        %cond3A_83 = arith.cmpi ne, %convert_element_type3A_81, %cond3A_82 : i32
        scf.if %cond3A_83 {
          %sub3A = arith.constant 3 : i32
          %sub3A_111 = arith.subi %add3A_64, %sub3A : i32
          %mul3A_112 = arith.constant 32 : i32
          %mul3A_113 = arith.muli %sub3A_111, %mul3A_112 : i32
          %add3A_114 = arith.addi %mul3A_113, %add3A : i32
          %mul3A_115 = arith.constant 4 : i32
          %mul3A_116 = arith.muli %add3A_114, %mul3A_115 : i32
          %dma_wait3A_117 = arith.constant 0 : i32
          %dma_wait3A_118 = tpu.memref_slice %arg4[%mul3A_116, %dma_wait3A_117] : memref<16384x4096xf32, #tpu.memory_space<hbm>> -> memref<4x4096xf32, #tpu.memory_space<hbm>>
          %dma_wait3A_119 = arith.constant 0 : i32
          %dma_wait3A_120 = tpu.memref_slice %arg4[%mul3A_116, %dma_wait3A_119] : memref<16384x4096xf32, #tpu.memory_space<hbm>> -> memref<4x4096xf32, #tpu.memory_space<hbm>>
          tpu.wait_dma2 semaphore(%arg16 : memref<!tpu.dma_semaphore, #tpu.memory_space<semaphore_mem>>) src(%arg10 : memref<4x4096xf32, #tpu.memory_space<vmem>>) dst(%dma_wait3A_120 : memref<4x4096xf32, #tpu.memory_space<hbm>>)
        } else {
        }
        %mul3A_84 = arith.constant 32 : i32
        %mul3A_85 = arith.muli %add3A_64, %mul3A_84 : i32
        %add3A_86 = arith.addi %mul3A_85, %add3A : i32
        %mul3A_87 = arith.constant 4 : i32
        %mul3A_88 = arith.muli %add3A_86, %mul3A_87 : i32
        %dma_wait3A_89 = arith.constant 0 : i32
        %dma_wait3A_90 = tpu.memref_slice %arg2[%mul3A_88, %dma_wait3A_89] : memref<16384x4096xf32, #tpu.memory_space<hbm>> -> memref<4x4096xf32, #tpu.memory_space<hbm>>
        %dma_wait3A_91 = arith.constant 0 : i32
        %dma_wait3A_92 = tpu.memref_slice %arg2[%mul3A_88, %dma_wait3A_91] : memref<16384x4096xf32, #tpu.memory_space<hbm>> -> memref<4x4096xf32, #tpu.memory_space<hbm>>
        tpu.wait_dma2 semaphore(%arg13 : memref<!tpu.dma_semaphore, #tpu.memory_space<semaphore_mem>>) src(%dma_wait3A_92 : memref<4x4096xf32, #tpu.memory_space<hbm>>) dst(%arg7 : memref<4x4096xf32, #tpu.memory_space<vmem>>)
        %parallel_loop3A = arith.constant 0 : i32
        %parallel_loop3A_93 = arith.constant 256 : i32
        %parallel_loop3A_94 = arith.constant 1 : i32
        scf.for %parallel_loop3A_111 = %parallel_loop3A to %parallel_loop3A_93 step %parallel_loop3A_94  : i32 {
          %parallel_loop3A_112 = arith.constant 16 : i32
          %parallel_loop3A_113 = arith.muli %parallel_loop3A_111, %parallel_loop3A_112 : i32
          %parallel_loop3A_114 = arith.index_cast %parallel_loop3A_113 : i32 to index
          %parallel_loop3A_115 = tpu.vector_load %arg5[%parallel_loop3A_114] {strides = array<i32>} : memref<4096xi32, #tpu.memory_space<vmem>>, vector<16xi32>,
          %parallel_loop3A_116 = arith.constant 0 : i32
          %parallel_loop3A_117 = vector.broadcast %parallel_loop3A_116 : i32 to vector<16xi32>
          %parallel_loop3A_118 = tpu.vector_load_idx %arg7[%parallel_loop3A_117, %parallel_loop3A_115] : memref<4x4096xf32, #tpu.memory_space<vmem>>[vector<16xi32>, vector<16xi32>], vector<16xf32>,
          %parallel_loop3A_119 = arith.constant 0 : i32
          %parallel_loop3A_120 = arith.index_cast %parallel_loop3A_119 : i32 to index
          %parallel_loop3A_121 = arith.index_cast %parallel_loop3A_113 : i32 to index
          %parallel_loop3A_122 = tpu.vector_load %arg10[%parallel_loop3A_120, %parallel_loop3A_121] {strides = array<i32>} : memref<4x4096xf32, #tpu.memory_space<vmem>>, vector<16xf32>,
          tpu.vector_store %arg10[%parallel_loop3A_120, %parallel_loop3A_121], %parallel_loop3A_118 {strides = array<i32>} : memref<4x4096xf32, #tpu.memory_space<vmem>>, vector<16xf32>,
          %parallel_loop3A_123 = arith.constant 1 : i32
          %parallel_loop3A_124 = vector.broadcast %parallel_loop3A_123 : i32 to vector<16xi32>
          %parallel_loop3A_125 = tpu.vector_load_idx %arg7[%parallel_loop3A_124, %parallel_loop3A_115] : memref<4x4096xf32, #tpu.memory_space<vmem>>[vector<16xi32>, vector<16xi32>], vector<16xf32>,
          %parallel_loop3A_126 = arith.constant 1 : i32
          %parallel_loop3A_127 = arith.index_cast %parallel_loop3A_126 : i32 to index
          %parallel_loop3A_128 = arith.index_cast %parallel_loop3A_113 : i32 to index
          %parallel_loop3A_129 = tpu.vector_load %arg10[%parallel_loop3A_127, %parallel_loop3A_128] {strides = array<i32>} : memref<4x4096xf32, #tpu.memory_space<vmem>>, vector<16xf32>,
          tpu.vector_store %arg10[%parallel_loop3A_127, %parallel_loop3A_128], %parallel_loop3A_125 {strides = array<i32>} : memref<4x4096xf32, #tpu.memory_space<vmem>>, vector<16xf32>,
          %parallel_loop3A_130 = arith.constant 2 : i32
          %parallel_loop3A_131 = vector.broadcast %parallel_loop3A_130 : i32 to vector<16xi32>
          %parallel_loop3A_132 = tpu.vector_load_idx %arg7[%parallel_loop3A_131, %parallel_loop3A_115] : memref<4x4096xf32, #tpu.memory_space<vmem>>[vector<16xi32>, vector<16xi32>], vector<16xf32>,
          %parallel_loop3A_133 = arith.constant 2 : i32
          %parallel_loop3A_134 = arith.index_cast %parallel_loop3A_133 : i32 to index
          %parallel_loop3A_135 = arith.index_cast %parallel_loop3A_113 : i32 to index
          %parallel_loop3A_136 = tpu.vector_load %arg10[%parallel_loop3A_134, %parallel_loop3A_135] {strides = array<i32>} : memref<4x4096xf32, #tpu.memory_space<vmem>>, vector<16xf32>,
          tpu.vector_store %arg10[%parallel_loop3A_134, %parallel_loop3A_135], %parallel_loop3A_132 {strides = array<i32>} : memref<4x4096xf32, #tpu.memory_space<vmem>>, vector<16xf32>,
          %parallel_loop3A_137 = arith.constant 3 : i32
          %parallel_loop3A_138 = vector.broadcast %parallel_loop3A_137 : i32 to vector<16xi32>
          %parallel_loop3A_139 = tpu.vector_load_idx %arg7[%parallel_loop3A_138, %parallel_loop3A_115] : memref<4x4096xf32, #tpu.memory_space<vmem>>[vector<16xi32>, vector<16xi32>], vector<16xf32>,
          %parallel_loop3A_140 = arith.constant 3 : i32
          %parallel_loop3A_141 = arith.index_cast %parallel_loop3A_140 : i32 to index
          %parallel_loop3A_142 = arith.index_cast %parallel_loop3A_113 : i32 to index
          %parallel_loop3A_143 = tpu.vector_load %arg10[%parallel_loop3A_141, %parallel_loop3A_142] {strides = array<i32>} : memref<4x4096xf32, #tpu.memory_space<vmem>>, vector<16xf32>,
          tpu.vector_store %arg10[%parallel_loop3A_141, %parallel_loop3A_142], %parallel_loop3A_139 {strides = array<i32>} : memref<4x4096xf32, #tpu.memory_space<vmem>>, vector<16xf32>,
        } {sc.loop_unroll_factor = 8 : i64, sc.parallel_access}
        %mul3A_95 = arith.constant 32 : i32
        %mul3A_96 = arith.muli %add3A_64, %mul3A_95 : i32
        %add3A_97 = arith.addi %mul3A_96, %add3A : i32
        %mul3A_98 = arith.constant 4 : i32
        %mul3A_99 = arith.muli %add3A_97, %mul3A_98 : i32
        %dma_start3A_100 = arith.constant 0 : i32
        %dma_start3A_101 = tpu.memref_slice %arg4[%mul3A_99, %dma_start3A_100] : memref<16384x4096xf32, #tpu.memory_space<hbm>> -> memref<4x4096xf32, #tpu.memory_space<hbm>>
        %dma_start3A_102 = arith.constant 0 : i32
        %dma_start3A_103 = tpu.memref_slice %arg4[%mul3A_99, %dma_start3A_102] : memref<16384x4096xf32, #tpu.memory_space<hbm>> -> memref<4x4096xf32, #tpu.memory_space<hbm>>
        tpu.enqueue_dma source(%arg10 : memref<4x4096xf32, #tpu.memory_space<vmem>>) target(%dma_start3A_103 : memref<4x4096xf32, #tpu.memory_space<hbm>>) target_semaphore(%arg16 : memref<!tpu.dma_semaphore, #tpu.memory_space<semaphore_mem>>)
        %add3A_104 = arith.constant 3 : i32
        %add3A_105 = arith.addi %add3A_64, %add3A_104 : i32
        %lt3A_106 = arith.constant 128 : i32
        %lt3A_107 = arith.cmpi slt, %add3A_105, %lt3A_106 : i32
        %convert_element_type3A_108 = arith.extui %lt3A_107 : i1 to i32
        %cond3A_109 = arith.constant 0 : i32
        %cond3A_110 = arith.cmpi ne, %convert_element_type3A_108, %cond3A_109 : i32
        scf.if %cond3A_110 {
          %add3A_111 = arith.constant 3 : i32
          %add3A_112 = arith.addi %add3A_64, %add3A_111 : i32
          %mul3A_113 = arith.constant 32 : i32
          %mul3A_114 = arith.muli %add3A_112, %mul3A_113 : i32
          %add3A_115 = arith.addi %mul3A_114, %add3A : i32
          %mul3A_116 = arith.constant 4 : i32
          %mul3A_117 = arith.muli %add3A_115, %mul3A_116 : i32
          %dma_start3A_118 = arith.constant 0 : i32
          %dma_start3A_119 = tpu.memref_slice %arg2[%mul3A_117, %dma_start3A_118] : memref<16384x4096xf32, #tpu.memory_space<hbm>> -> memref<4x4096xf32, #tpu.memory_space<hbm>>
          %dma_start3A_120 = arith.constant 0 : i32
          %dma_start3A_121 = tpu.memref_slice %arg2[%mul3A_117, %dma_start3A_120] : memref<16384x4096xf32, #tpu.memory_space<hbm>> -> memref<4x4096xf32, #tpu.memory_space<hbm>>
          tpu.enqueue_dma source(%dma_start3A_121 : memref<4x4096xf32, #tpu.memory_space<hbm>>) target(%arg7 : memref<4x4096xf32, #tpu.memory_space<vmem>>) target_semaphore(%arg13 : memref<!tpu.dma_semaphore, #tpu.memory_space<semaphore_mem>>)
        } else {
        }
      } else {
      }
      %mul3A_70 = arith.constant 3 : i32
      %mul3A_71 = arith.muli %mul3A_70, %scan3A_53 : i32
      %add3A_72 = arith.constant 2 : i32
      %add3A_73 = arith.addi %mul3A_71, %add3A_72 : i32
      %lt3A_74 = arith.constant 128 : i32
      %lt3A_75 = arith.cmpi slt, %add3A_73, %lt3A_74 : i32
      %convert_element_type3A_76 = arith.extui %lt3A_75 : i1 to i32
      %cond3A_77 = arith.constant 0 : i32
      %cond3A_78 = arith.cmpi ne, %convert_element_type3A_76, %cond3A_77 : i32
      scf.if %cond3A_78 {
        %ge3A = arith.constant 3 : i32
        %ge3A_80 = arith.cmpi sge, %add3A_73, %ge3A : i32
        %convert_element_type3A_81 = arith.extui %ge3A_80 : i1 to i32
        %cond3A_82 = arith.constant 0 : i32
        %cond3A_83 = arith.cmpi ne, %convert_element_type3A_81, %cond3A_82 : i32
        scf.if %cond3A_83 {
          %sub3A = arith.constant 3 : i32
          %sub3A_111 = arith.subi %add3A_73, %sub3A : i32
          %mul3A_112 = arith.constant 32 : i32
          %mul3A_113 = arith.muli %sub3A_111, %mul3A_112 : i32
          %add3A_114 = arith.addi %mul3A_113, %add3A : i32
          %mul3A_115 = arith.constant 4 : i32
          %mul3A_116 = arith.muli %add3A_114, %mul3A_115 : i32
          %dma_wait3A_117 = arith.constant 0 : i32
          %dma_wait3A_118 = tpu.memref_slice %arg4[%mul3A_116, %dma_wait3A_117] : memref<16384x4096xf32, #tpu.memory_space<hbm>> -> memref<4x4096xf32, #tpu.memory_space<hbm>>
          %dma_wait3A_119 = arith.constant 0 : i32
          %dma_wait3A_120 = tpu.memref_slice %arg4[%mul3A_116, %dma_wait3A_119] : memref<16384x4096xf32, #tpu.memory_space<hbm>> -> memref<4x4096xf32, #tpu.memory_space<hbm>>
          tpu.wait_dma2 semaphore(%arg17 : memref<!tpu.dma_semaphore, #tpu.memory_space<semaphore_mem>>) src(%arg11 : memref<4x4096xf32, #tpu.memory_space<vmem>>) dst(%dma_wait3A_120 : memref<4x4096xf32, #tpu.memory_space<hbm>>)
        } else {
        }
        %mul3A_84 = arith.constant 32 : i32
        %mul3A_85 = arith.muli %add3A_73, %mul3A_84 : i32
        %add3A_86 = arith.addi %mul3A_85, %add3A : i32
        %mul3A_87 = arith.constant 4 : i32
        %mul3A_88 = arith.muli %add3A_86, %mul3A_87 : i32
        %dma_wait3A_89 = arith.constant 0 : i32
        %dma_wait3A_90 = tpu.memref_slice %arg2[%mul3A_88, %dma_wait3A_89] : memref<16384x4096xf32, #tpu.memory_space<hbm>> -> memref<4x4096xf32, #tpu.memory_space<hbm>>
        %dma_wait3A_91 = arith.constant 0 : i32
        %dma_wait3A_92 = tpu.memref_slice %arg2[%mul3A_88, %dma_wait3A_91] : memref<16384x4096xf32, #tpu.memory_space<hbm>> -> memref<4x4096xf32, #tpu.memory_space<hbm>>
        tpu.wait_dma2 semaphore(%arg14 : memref<!tpu.dma_semaphore, #tpu.memory_space<semaphore_mem>>) src(%dma_wait3A_92 : memref<4x4096xf32, #tpu.memory_space<hbm>>) dst(%arg8 : memref<4x4096xf32, #tpu.memory_space<vmem>>)
        %parallel_loop3A = arith.constant 0 : i32
        %parallel_loop3A_93 = arith.constant 256 : i32
        %parallel_loop3A_94 = arith.constant 1 : i32
        scf.for %parallel_loop3A_111 = %parallel_loop3A to %parallel_loop3A_93 step %parallel_loop3A_94  : i32 {
          %parallel_loop3A_112 = arith.constant 16 : i32
          %parallel_loop3A_113 = arith.muli %parallel_loop3A_111, %parallel_loop3A_112 : i32
          %parallel_loop3A_114 = arith.index_cast %parallel_loop3A_113 : i32 to index
          %parallel_loop3A_115 = tpu.vector_load %arg5[%parallel_loop3A_114] {strides = array<i32>} : memref<4096xi32, #tpu.memory_space<vmem>>, vector<16xi32>,
          %parallel_loop3A_116 = arith.constant 0 : i32
          %parallel_loop3A_117 = vector.broadcast %parallel_loop3A_116 : i32 to vector<16xi32>
          %parallel_loop3A_118 = tpu.vector_load_idx %arg8[%parallel_loop3A_117, %parallel_loop3A_115] : memref<4x4096xf32, #tpu.memory_space<vmem>>[vector<16xi32>, vector<16xi32>], vector<16xf32>,
          %parallel_loop3A_119 = arith.constant 0 : i32
          %parallel_loop3A_120 = arith.index_cast %parallel_loop3A_119 : i32 to index
          %parallel_loop3A_121 = arith.index_cast %parallel_loop3A_113 : i32 to index
          %parallel_loop3A_122 = tpu.vector_load %arg11[%parallel_loop3A_120, %parallel_loop3A_121] {strides = array<i32>} : memref<4x4096xf32, #tpu.memory_space<vmem>>, vector<16xf32>,
          tpu.vector_store %arg11[%parallel_loop3A_120, %parallel_loop3A_121], %parallel_loop3A_118 {strides = array<i32>} : memref<4x4096xf32, #tpu.memory_space<vmem>>, vector<16xf32>,
          %parallel_loop3A_123 = arith.constant 1 : i32
          %parallel_loop3A_124 = vector.broadcast %parallel_loop3A_123 : i32 to vector<16xi32>
          %parallel_loop3A_125 = tpu.vector_load_idx %arg8[%parallel_loop3A_124, %parallel_loop3A_115] : memref<4x4096xf32, #tpu.memory_space<vmem>>[vector<16xi32>, vector<16xi32>], vector<16xf32>,
          %parallel_loop3A_126 = arith.constant 1 : i32
          %parallel_loop3A_127 = arith.index_cast %parallel_loop3A_126 : i32 to index
          %parallel_loop3A_128 = arith.index_cast %parallel_loop3A_113 : i32 to index
          %parallel_loop3A_129 = tpu.vector_load %arg11[%parallel_loop3A_127, %parallel_loop3A_128] {strides = array<i32>} : memref<4x4096xf32, #tpu.memory_space<vmem>>, vector<16xf32>,
          tpu.vector_store %arg11[%parallel_loop3A_127, %parallel_loop3A_128], %parallel_loop3A_125 {strides = array<i32>} : memref<4x4096xf32, #tpu.memory_space<vmem>>, vector<16xf32>,
          %parallel_loop3A_130 = arith.constant 2 : i32
          %parallel_loop3A_131 = vector.broadcast %parallel_loop3A_130 : i32 to vector<16xi32>
          %parallel_loop3A_132 = tpu.vector_load_idx %arg8[%parallel_loop3A_131, %parallel_loop3A_115] : memref<4x4096xf32, #tpu.memory_space<vmem>>[vector<16xi32>, vector<16xi32>], vector<16xf32>,
          %parallel_loop3A_133 = arith.constant 2 : i32
          %parallel_loop3A_134 = arith.index_cast %parallel_loop3A_133 : i32 to index
          %parallel_loop3A_135 = arith.index_cast %parallel_loop3A_113 : i32 to index
          %parallel_loop3A_136 = tpu.vector_load %arg11[%parallel_loop3A_134, %parallel_loop3A_135] {strides = array<i32>} : memref<4x4096xf32, #tpu.memory_space<vmem>>, vector<16xf32>,
          tpu.vector_store %arg11[%parallel_loop3A_134, %parallel_loop3A_135], %parallel_loop3A_132 {strides = array<i32>} : memref<4x4096xf32, #tpu.memory_space<vmem>>, vector<16xf32>,
          %parallel_loop3A_137 = arith.constant 3 : i32
          %parallel_loop3A_138 = vector.broadcast %parallel_loop3A_137 : i32 to vector<16xi32>
          %parallel_loop3A_139 = tpu.vector_load_idx %arg8[%parallel_loop3A_138, %parallel_loop3A_115] : memref<4x4096xf32, #tpu.memory_space<vmem>>[vector<16xi32>, vector<16xi32>], vector<16xf32>,
          %parallel_loop3A_140 = arith.constant 3 : i32
          %parallel_loop3A_141 = arith.index_cast %parallel_loop3A_140 : i32 to index
          %parallel_loop3A_142 = arith.index_cast %parallel_loop3A_113 : i32 to index
          %parallel_loop3A_143 = tpu.vector_load %arg11[%parallel_loop3A_141, %parallel_loop3A_142] {strides = array<i32>} : memref<4x4096xf32, #tpu.memory_space<vmem>>, vector<16xf32>,
          tpu.vector_store %arg11[%parallel_loop3A_141, %parallel_loop3A_142], %parallel_loop3A_139 {strides = array<i32>} : memref<4x4096xf32, #tpu.memory_space<vmem>>, vector<16xf32>,
        } {sc.loop_unroll_factor = 8 : i64, sc.parallel_access}
        %mul3A_95 = arith.constant 32 : i32
        %mul3A_96 = arith.muli %add3A_73, %mul3A_95 : i32
        %add3A_97 = arith.addi %mul3A_96, %add3A : i32
        %mul3A_98 = arith.constant 4 : i32
        %mul3A_99 = arith.muli %add3A_97, %mul3A_98 : i32
        %dma_start3A_100 = arith.constant 0 : i32
        %dma_start3A_101 = tpu.memref_slice %arg4[%mul3A_99, %dma_start3A_100] : memref<16384x4096xf32, #tpu.memory_space<hbm>> -> memref<4x4096xf32, #tpu.memory_space<hbm>>
        %dma_start3A_102 = arith.constant 0 : i32
        %dma_start3A_103 = tpu.memref_slice %arg4[%mul3A_99, %dma_start3A_102] : memref<16384x4096xf32, #tpu.memory_space<hbm>> -> memref<4x4096xf32, #tpu.memory_space<hbm>>
        tpu.enqueue_dma source(%arg11 : memref<4x4096xf32, #tpu.memory_space<vmem>>) target(%dma_start3A_103 : memref<4x4096xf32, #tpu.memory_space<hbm>>) target_semaphore(%arg17 : memref<!tpu.dma_semaphore, #tpu.memory_space<semaphore_mem>>)
        %add3A_104 = arith.constant 3 : i32
        %add3A_105 = arith.addi %add3A_73, %add3A_104 : i32
        %lt3A_106 = arith.constant 128 : i32
        %lt3A_107 = arith.cmpi slt, %add3A_105, %lt3A_106 : i32
        %convert_element_type3A_108 = arith.extui %lt3A_107 : i1 to i32
        %cond3A_109 = arith.constant 0 : i32
        %cond3A_110 = arith.cmpi ne, %convert_element_type3A_108, %cond3A_109 : i32
        scf.if %cond3A_110 {
          %add3A_111 = arith.constant 3 : i32
          %add3A_112 = arith.addi %add3A_73, %add3A_111 : i32
          %mul3A_113 = arith.constant 32 : i32
          %mul3A_114 = arith.muli %add3A_112, %mul3A_113 : i32
          %add3A_115 = arith.addi %mul3A_114, %add3A : i32
          %mul3A_116 = arith.constant 4 : i32
          %mul3A_117 = arith.muli %add3A_115, %mul3A_116 : i32
          %dma_start3A_118 = arith.constant 0 : i32
          %dma_start3A_119 = tpu.memref_slice %arg2[%mul3A_117, %dma_start3A_118] : memref<16384x4096xf32, #tpu.memory_space<hbm>> -> memref<4x4096xf32, #tpu.memory_space<hbm>>
          %dma_start3A_120 = arith.constant 0 : i32
          %dma_start3A_121 = tpu.memref_slice %arg2[%mul3A_117, %dma_start3A_120] : memref<16384x4096xf32, #tpu.memory_space<hbm>> -> memref<4x4096xf32, #tpu.memory_space<hbm>>
          tpu.enqueue_dma source(%dma_start3A_121 : memref<4x4096xf32, #tpu.memory_space<hbm>>) target(%arg8 : memref<4x4096xf32, #tpu.memory_space<vmem>>) target_semaphore(%arg14 : memref<!tpu.dma_semaphore, #tpu.memory_space<semaphore_mem>>)
        } else {
        }
      } else {
      }
      %scan3A_79 = arith.constant 0 : i32
      scf.yield %scan3A_79 : i32
    }
    %scan3A_29 = arith.constant 43 : i32
    %add3A_30 = arith.constant 4000 : i32
    %add3A_31 = arith.addi %add3A_30, %add3A : i32
    %mul3A_32 = arith.constant 4 : i32
    %mul3A_33 = arith.muli %add3A_31, %mul3A_32 : i32
    %dma_wait3A = arith.constant 0 : i32
    %dma_wait3A_34 = tpu.memref_slice %arg4[%mul3A_33, %dma_wait3A] : memref<16384x4096xf32, #tpu.memory_space<hbm>> -> memref<4x4096xf32, #tpu.memory_space<hbm>>
    %dma_wait3A_35 = arith.constant 0 : i32
    %dma_wait3A_36 = tpu.memref_slice %arg4[%mul3A_33, %dma_wait3A_35] : memref<16384x4096xf32, #tpu.memory_space<hbm>> -> memref<4x4096xf32, #tpu.memory_space<hbm>>
    tpu.wait_dma2 semaphore(%arg17 : memref<!tpu.dma_semaphore, #tpu.memory_space<semaphore_mem>>) src(%arg11 : memref<4x4096xf32, #tpu.memory_space<vmem>>) dst(%dma_wait3A_36 : memref<4x4096xf32, #tpu.memory_space<hbm>>)
    %add3A_37 = arith.constant 4032 : i32
    %add3A_38 = arith.addi %add3A_37, %add3A : i32
    %mul3A_39 = arith.constant 4 : i32
    %mul3A_40 = arith.muli %add3A_38, %mul3A_39 : i32
    %dma_wait3A_41 = arith.constant 0 : i32
    %dma_wait3A_42 = tpu.memref_slice %arg4[%mul3A_40, %dma_wait3A_41] : memref<16384x4096xf32, #tpu.memory_space<hbm>> -> memref<4x4096xf32, #tpu.memory_space<hbm>>
    %dma_wait3A_43 = arith.constant 0 : i32
    %dma_wait3A_44 = tpu.memref_slice %arg4[%mul3A_40, %dma_wait3A_43] : memref<16384x4096xf32, #tpu.memory_space<hbm>> -> memref<4x4096xf32, #tpu.memory_space<hbm>>
    tpu.wait_dma2 semaphore(%arg15 : memref<!tpu.dma_semaphore, #tpu.memory_space<semaphore_mem>>) src(%arg9 : memref<4x4096xf32, #tpu.memory_space<vmem>>) dst(%dma_wait3A_44 : memref<4x4096xf32, #tpu.memory_space<hbm>>)
    %add3A_45 = arith.constant 4064 : i32
    %add3A_46 = arith.addi %add3A_45, %add3A : i32
    %mul3A_47 = arith.constant 4 : i32
    %mul3A_48 = arith.muli %add3A_46, %mul3A_47 : i32
    %dma_wait3A_49 = arith.constant 0 : i32
    %dma_wait3A_50 = tpu.memref_slice %arg4[%mul3A_48, %dma_wait3A_49] : memref<16384x4096xf32, #tpu.memory_space<hbm>> -> memref<4x4096xf32, #tpu.memory_space<hbm>>
    %dma_wait3A_51 = arith.constant 0 : i32
    %dma_wait3A_52 = tpu.memref_slice %arg4[%mul3A_48, %dma_wait3A_51] : memref<16384x4096xf32, #tpu.memory_space<hbm>> -> memref<4x4096xf32, #tpu.memory_space<hbm>>
    tpu.wait_dma2 semaphore(%arg16 : memref<!tpu.dma_semaphore, #tpu.memory_space<semaphore_mem>>) src(%arg10 : memref<4x4096xf32, #tpu.memory_space<vmem>>) dst(%dma_wait3A_52 : memref<4x4096xf32, #tpu.memory_space<hbm>>)
    return
  }
}

</mosaic_0001>

<sc_bundles>
// kernel: kernel.3.cloned.1.call-start
scs
__scs_entry_jumppad:
0x0: {  	(pc) =	sbr.rel $0x88, $3  }
0x1: {  	(tag) =	ssettag $0x0;
	lr =	simm.s32 $0x1  }
0x2: {  	[smem:$0x3F9F] =	sst lr;
	_ =	strace $0xD0000000  }
0x3: {  	_ = 	snop  }
0x4: {  	_ = 	snop  }
0x5: {  	_ = 	snop  }
0x6: {  	_ = 	snop  }
0x7: {  	_ = 	snop  }
__scs_overlays_trampoline_lowered:
0x8: {  	[smem:$0x3FAE] =	sst s0  }
0x9: {  	[smem:$0x3FAF] =	sst s1  }
0xa: {  	[smem:$0x3FB0] =	sst s2  }
0xb: {  	[smem:$0x3FB1] =	sst s3  }
0xc: {  	[smem:$0x3FB2] =	sst s4  }
0xd: {  	[smem:$0x3FB3] =	sst s5  }
0xe: {  	[smem:$0x3FB4] =	sst s6  }
0xf: {  	[smem:$0x3FB5] =	sst s7  }
0x10: {  	[smem:$0x3FB6] =	sst s8  }
0x11: {  	[smem:$0x3FB7] =	sst s9;
	s0 =	simm.s32 @!p0 $0x0  }
0x12: {  	s1 =	sld [smem:$0x3F9D];
	s0 =	simm.s32 @p0 $0x1  }
0x13: {  	[smem:$0x3FB8] =	sst s0;
	s0 =	simm.s32 @!p1 $0x0  }
0x14: {  	s2 =	sld [smem:$0x3F9C];
	s0 =	simm.s32 @p1 $0x1  }
0x15: {  	[smem:$0x3FB9] =	sst s0;
	s0 =	simm.s32 @!p2 $0x0  }
0x16: {  	s3 =	sld [smem:$0x3FDB];
	s0 =	simm.s32 @p2 $0x1  }
0x17: {  	s4 =	simm.s32 $0x1BF5;
	[smem:$0x3FBB] =	sst s0  }
0x18: {  	s0 =	sld [smem:$0x3F9E];
	_ =	swait.ge [sflag:s4], $0x0  }
0x19: {  	s7 =	sld [smem:$0x3F9F]  }
0x1a: {  	s8 =	sadd.s32 $0xFFFFE003, lr  }
0x1b: {  	s9 =	sadd.s32 $0xFFFFFEF7, lr;
	s5 =	simm.s32 $0xFFFFFFFF;
	p2 =	slt.u32 s8, $0xFFFFF086  }
0x1c: {  	p1 =	slt.u32 s9, $0xF7A;
	s5 =	simm.s32 @!p2 $0x0  }
0x1d: {  	s5 =	simm.s32 @p1 $0x1;
	p0 =	seq.s32 s7, s2  }
0x1e: {  	s7 =	smul.u32 @!p0 $0xF7A, s2;
	p2 =	seq.s32 @!p0 s5, $0x0  }
0x1f: {  	s9 =	smul.u32 $0xF7A, s1;
	s8 =	simm.s32 @!p0 $0x1BF5;
	p2 =	por !p2, p0  }
0x20: {  	[sflag:s8] =	ssyncset.s32 @!p0 $0xFFFFF086;
	s6 =	sadd.s32 @!p0 s3, s7;
	s7 =	simm.s32 @!p0 $0x108  }
0x21: {  	s3 =	sadd.s32 s3, s9;
	s6 =	sadd.s32 @!p0 $0x88, s6;
	s7 =	simm.s32 @p2 $0x1082  }
0x22: {  	[simem:s7], [sflag:s8] =	dma.local @!p0 [hbm:s6], $0xF7A  }
0x23: {  	s9 =	sor.u32 $0xD0000000, s2;
	s6 =	simm.s32 $0x108;
	_ =	swait.ge @!p0 [sflag:s8], $0x0  }
0x24: {  	s3 =	sadd.s32 $0x88, s3;
	s6 =	simm.s32 @!p1 $0x1082;
	[sflag:s4] =	ssyncset.s32 $0xFFFFF086  }
0x25: {  	[simem:s6], [sflag:s4] =	dma.local [hbm:s3], $0xF7A  }
0x26: {  	[smem:$0x3F9F] =	sst s1;
	(tag) =	ssettag s2;
	_ =	strace s9  }
0x27: {  	s1 =	sld [smem:$0x3FAF]  }
0x28: {  	s2 =	sld [smem:$0x3FB0]  }
0x29: {  	s4 =	sld [smem:$0x3FB2]  }
0x2a: {  	p0 =	seq.s32 s5, $0x0;
	s5 =	sld [smem:$0x3FB3]  }
0x2b: {  	s6 =	sld [smem:$0x3FB4]  }
0x2c: {  	s7 =	sld [smem:$0x3FB5]  }
0x2d: {  	s3 =	simm.s32 $0x108;
	s8 =	sld [smem:$0x3FB6]  }
0x2e: {  	s3 =	simm.s32 @!p0 $0x1082;
	s9 =	sld [smem:$0x3FB7]  }
0x2f: {  	lr =	sadd.s32 s0, s3;
	s0 =	sld [smem:$0x3FAE]  }
0x30: {  	s3 =	sld [smem:$0x3FB1]  }
0x31: {  	[smem:$0x3FBA] =	sst s10  }
0x32: {  	s10 =	sld [smem:$0x3FB8];
	_ =	sdelay $0x3  }
0x33: {  	p0 =	seq.s32 s10, $0x1;
	s10 =	sld [smem:$0x3FBA];
	_ =	sdelay $0x3  }
0x34: {  	[smem:$0x3FBA] =	sst s10  }
0x35: {  	s10 =	sld [smem:$0x3FB9];
	_ =	sdelay $0x3  }
0x36: {  	p1 =	seq.s32 s10, $0x1;
	s10 =	sld [smem:$0x3FBA];
	_ =	sdelay $0x3  }
0x37: {  	[smem:$0x3FBA] =	sst s10  }
0x38: {  	s10 =	sld [smem:$0x3FBB]  }
0x39: {  	_ = 	snop;
	(pc) =	sbr.ind lr, $3  }
0x3a: {  	_ = 	snop  }
0x3b: {  	_ = 	snop  }
0x3c: {  	p2 =	seq.s32 s10, $0x1;
	s10 =	sld [smem:$0x3FBA]  }
0x3d: {  	_ =	shalt  }
0x3e: {  	_ =	shalt  }
0x3f: {  	_ =	shalt  }
0x40: {  	_ =	shalt  }
0x41: {  	_ =	shalt  }
0x42: {  	_ =	shalt  }
0x43: {  	_ =	shalt  }
0x44: {  	_ =	shalt  }
0x45: {  	_ =	shalt  }
0x46: {  	_ =	shalt  }
0x47: {  	_ =	shalt  }
0x48: {  	_ =	shalt  }
0x49: {  	_ =	shalt  }
0x4a: {  	_ =	shalt  }
0x4b: {  	_ =	shalt  }
0x4c: {  	_ =	shalt  }
0x4d: {  	_ =	shalt  }
0x4e: {  	_ =	shalt  }
0x4f: {  	_ =	shalt  }
0x50: {  	_ =	shalt  }
0x51: {  	_ =	shalt  }
0x52: {  	_ =	shalt  }
0x53: {  	_ =	shalt  }
0x54: {  	_ =	shalt  }
0x55: {  	_ =	shalt  }
0x56: {  	_ =	shalt  }
0x57: {  	_ =	shalt  }
0x58: {  	_ =	shalt  }
0x59: {  	_ =	shalt  }
0x5a: {  	_ =	shalt  }
0x5b: {  	_ =	shalt  }
0x5c: {  	_ =	shalt  }
0x5d: {  	_ =	shalt  }
0x5e: {  	_ =	shalt  }
0x5f: {  	_ =	shalt  }
0x60: {  	_ =	shalt  }
0x61: {  	_ =	shalt  }
0x62: {  	_ =	shalt  }
0x63: {  	_ =	shalt  }
0x64: {  	_ =	shalt  }
0x65: {  	_ =	shalt  }
0x66: {  	_ =	shalt  }
0x67: {  	_ =	shalt  }
0x68: {  	_ =	shalt  }
0x69: {  	_ =	shalt  }
0x6a: {  	_ =	shalt  }
0x6b: {  	_ =	shalt  }
0x6c: {  	_ =	shalt  }
0x6d: {  	_ =	shalt  }
0x6e: {  	_ =	shalt  }
0x6f: {  	_ =	shalt  }
0x70: {  	_ =	shalt  }
0x71: {  	_ =	shalt  }
0x72: {  	_ =	shalt  }
0x73: {  	_ =	shalt  }
0x74: {  	_ =	shalt  }
0x75: {  	_ =	shalt  }
0x76: {  	_ =	shalt  }
0x77: {  	_ =	shalt  }
0x78: {  	_ =	shalt  }
0x79: {  	_ =	shalt  }
0x7a: {  	_ =	shalt  }
0x7b: {  	_ =	shalt  }
0x7c: {  	_ =	shalt  }
0x7d: {  	_ =	shalt  }
0x7e: {  	_ =	shalt  }
0x7f: {  	_ =	shalt  }
0x80: {  	_ =	shalt  }
0x81: {  	_ =	shalt  }
0x82: {  	_ =	shalt  }
0x83: {  	_ =	shalt  }
0x84: {  	_ =	shalt  }
0x85: {  	_ =	shalt  }
0x86: {  	_ =	shalt  }
0x87: {  	_ =	shalt  }
.Lfunc_end0:
.L_simem_size_0:
called_computation_lowered:
.L_overlay_start_0:
0x88: {  	s2 =	sld [smem:$0x3FD9]  }
0x89: {  	s3 =	sld [smem:$0x3FFE];
	_ =	sdelay $0x1  }
0x8a: {  	s1 =	srdreg.scid  }
0x8b: {  	s0 =	sand.u32 $0x1, s1  }
0x8c: {  	s18 =	sshll.u32 s0, $0xA;
	s2 =	sadd.s32 s3, s2  }
0x8d: {  	s2 =	sadd.s32 s2, s18  }
0x8e: {  	[smem:$0x3FC6] =	sst s2  }
0x8f: {  	_ = 	snop  }
0x90: {  	s2 =	sld [smem:$0x3FC9]  }
0x91: {  	s19 =	sld [smem:$0x3FC8]  }
0x92: {  	s4 =	sld [smem:$0x3FD0];
	(tm) =	ssettm $0x1  }
0x93: {  	s5 =	sld [smem:$0x3FFB];
	_ =	sdelay $0x3  }
0x94: {  	_ =	strace s5  }
0x95: {  	s5 =	sld [smem:$0x3FFC];
	_ =	sdelay $0x3  }
0x96: {  	_ =	strace s5  }
0x97: {  	s5 =	sld [smem:$0x3FFD];
	_ =	sdelay $0x3  }
0x98: {  	_ =	strace s5  }
0x99: {  	_ =	strace $0x8FFFFFFF  }
0x9a: {  	s20 =	sld [smem:$0x3FDB];
	_ =	sdelay $0x1  }
0x9b: {  	s6 =	simm.s32 $_scs_section_size  }
0x9c: {  	s7 =	simm.s32 $_size__tile_overlayer_lowered;
	s8 =	simm.s32 $_tile_overlayer_lowered  }
0x9d: {  	s23 =	simm.s32 $0x1BFF;
	s22 =	sshll.u32 s8, $0x1;
	s5 =	sadd.s32 s6, s20  }
0x9e: {  	s9 =	simm.s32 $0x0;
	s21 =	sshll.u32 s7, $0x1;
	s7 =	sadd.s32 s22, s5  }
0x9f: {  	[timem:s9], [sflag:s23] =	dma.local [hbm:s7], s21  }
0xa0: {  	_ =	swait.ge [sflag:s23], s21  }
0xa1: {  	s6 =	ssub.s32 $0x0, s21;
	[sflag:s23] =	ssyncset.done $0x0  }
0xa2: {  	[sflag:s23] =	ssyncadd.s32 s6;
	_ =	sdelay $0x1  }
0xa3: {  	s24 =	simm.s32 $0x1B8B  }
0xa4: {  	_ =	swait.ge [sflag:s24], $0x1  }
0xa5: {  	[sflag:s24] =	ssyncset.done $0x0  }
0xa6: {  	s25 =	simm.s32 $0x1B8E;
	[sflag:s24] =	ssyncadd.s32 $0xFFFFFFFF  }
0xa7: {  	s26 =	simm.s32 $execute0_lowered;
	[smem:$0x3FD2] =	sst s25  }
0xa8: {  	s6 =	sshll.u32 s26, $0x1;
	_ =	strace $0x80000046;
	[dreg:$0x1] =	wrdreg $0xFFFFFFFF  }
0xa9: {  	s28 =	simm.s32 $_size_execute0_lowered;
	s5 =	sadd.s32 s5, s6;
	[dreg:$0x0] =	wrdreg $0x0  }
0xaa: {  	s6 =	sshll.u32 s28, $0x1;
	[dreg:$0x2] =	wrdreg s5  }
0xab: {  	[dreg:$0x3] =	wrdreg s6  }
0xac: {  	[dreg:$0x4] =	wrdreg $0xC0  }
0xad: {  	_ =	task [dreg:s9], $0x5FFFF  }
0xae: {  	[dreg:$0x1] =	wrdreg $0xFFFFFFFF  }
0xaf: {  	[dreg:$0x0] =	wrdreg $0x60  }
0xb0: {  	[dreg:$0x2] =	wrdreg s2  }
0xb1: {  	[dreg:$0x3] =	wrdreg s19  }
0xb2: {  	[dreg:$0x4] =	wrdreg s4  }
0xb3: {  	[dreg:$0x5] =	wrdreg $0x9  }
0xb4: {  	_ =	task.clear_ibuf [dreg:s9], $0x6FFFF;
	_ =	strace $0x90000046  }
0xb5: {  	s29 =	simm.s32 $0x9;
	_ =	strace $0x80000048  }
0xb6: {  	_ =	swait.ge [sflag:s29], $0x1  }
0xb7: {  	[sflag:s29] =	ssyncadd.s32 $0xFFFFFFFF  }
0xb8: {  	_ =	strace $0x90000048  }
0xb9: {  	_ =	sfence  }
0xba: {  	s30 =	sld [smem:$0x0];
	_ =	sdelay $0x2  }
0xbb: {  	s31 =	sshll.u32 s1, $0xD;
	s1 =	sshrl.u32 s1, $0x2  }
0xbc: {  	s3 =	sand.u32 $0x4000, s31;
	s1 =	sadd.s32 s1, s30  }
0xbd: {  	s0 =	sor.u32 s3, s0;
	s1 =	sshll.u32 s1, $0x11  }
0xbe: {  	s0 =	sor.u32 s1, s0  }
0xbf: {  	s0 =	sadd.s32 $0x8F2B, s0  }
0xc0: {  	[sflag:s0] =	ssyncadd.remote.s32 $0x1  }
0xc1: {  	_ =	sfence.sel $0xFFFF  }
0xc2: {  	[dreg:$0x0] =	wrdreg $0xFFFFFFFF;
	(pc) =	sbr.abs _section_cstart, $3  }
0xc3: {  	[dreg:$0x1] =	wrdreg $0xFFFFFFFF  }
0xc4: {  	_ =	task.clear_ibuf [dreg:s9], $0x2FFFF;
	_ =	strace $0x9FFFFFFF  }
0xc5: {  	(tm) =	ssettm $0x7FFFFFFF  }
tec
execute0_lowered:
.L_overlay_start_1:
0x0: {  	(tag) =	ssettag $0x1  }
0x1: {  	s1 =	rddreg [dreg:$0x0]  }
0x2: {  	s4 =	rddreg [dreg:$0x2];
	s0 =	srdreg.scid  }
0x3: {  	s7 =	stileid.u32;
	s5 =	simm.s32 $0x0;
	s16 =	simm.s32 $0x7  }
0x4: {  	s17 =	simm.s32 $0x200;
	s18 =	simm.s32 $0x400;
	s19 =	simm.s32 $0x1000  }
0x5: {  	s20 =	simm.s32 $0x5000;
	s28 =	simm.s32 $0x4;
	s29 =	simm.s32 $0x5  }
0x6: {  	s30 =	simm.s32 $0x3;
	s31 =	simm.s32 $0x15000;
	s0 =	sand.u32 $0x1, s0  }
0x7: {  	s2 =	sshll.u32 s7, $0xF;
	[smem:$0x7FF] =	sst s5;
	s23 =	sshll.u32 s7, $0xC  }
0x8: {  	s3 =	sshll.u32 s0, $0x9;
	s21 =	ssub.s32 $0x2, s0;
	_ =	strace $0x80000047  }
0x9: {  	s0 =	sshll.u32 s0, $0x6;
	s5 =	sadd.s32 s4, s23;
	s23 =	simm.s32 $0xD000  }
0xa: {  	s2 =	sor.u32 s3, s2;
	s22 =	sshrl.u32 s21, $0x1;
	s9 =	sadd.s32 s0, s5  }
0xb: {  	s0 =	simm.s32 $0x0;
	s6 =	sshrl.u32 s2, $0x3;
	s3 =	ssub.s32 s21, s22  }
0xc: {  	s10 =	sor.u32 $0x180000, s2;
	s11 =	sor.u32 $0x80000, s2;
	s12 =	sor.u32 $0x200000, s2  }
.Ltmp0:
0xd: {  	s13 =	sor.u32 $0x100000, s2;
	s14 =	sor.u32 $0x280000, s2;
	(pc) =	sbr.rel .LBB2_1-.Ltmp0, $4  }
0xe: {  	s21 =	simm.s32 $0x9000;
	s6 =	sadd.s32 s1, s6;
	s26 =	smax.u32 s3, $0x1  }
0xf: {  	s22 =	simm.s32 $0x1;
	s24 =	sadd.s32 $0x10000, s6;
	[dreg:$0x6] =	wrdreg s26  }
0x10: {  	s25 =	sadd.s32 $0x20000, s6;
	s26 =	simm.s32 $0x6;
	[dreg:$0x4] =	wrdreg s24  }
0x11: {  	[dreg:$0x5] =	wrdreg s25;
	s24 =	simm.s32 $0x2;
	s25 =	simm.s32 $0x11000  }
.LBB2_10:
0x12: {  	_ =	swait.ge [sflag:s26], $0x4000  }
0x13: {  	[sflag:s26] =	ssyncset.done $0x0  }
0x14: {  	[sflag:s26] =	ssyncadd.s32 $0xFFFFC000  }
0x15: {  	_ =	swait.ge [sflag:s28], $0x4000  }
0x16: {  	[sflag:s28] =	ssyncset.done $0x0  }
0x17: {  	[sflag:s28] =	ssyncadd.s32 $0xFFFFC000  }
0x18: {  	_ =	swait.ge [sflag:s29], $0x4000  }
0x19: {  	s0 =	sadd.s32 $0x1, s0;
	s2 =	rddreg [dreg:$0x6]  }
0x1a: {  	p0 =	sne.s32 s0, s2  }
.Ltmp1:
0x1b: {  	_ = 	snop;
	(pc) =	sbr.rel @!p0 .LBB2_11-.Ltmp1, $3  }
0x1c: {  	_ =	sdelay $0x1  }
0x1d: {  	[sflag:s29] =	ssyncset.done $0x0  }
0x1e: {  	[sflag:s29] =	ssyncadd.s32 $0xFFFFC000  }
.LBB2_1:
0x1f: {  	s2 =	rddreg [dreg:$0x1];
	s3 =	simm.s32 $0x0  }
0x20: {  	[tilespmem:s3], [sflag:$0x7] =	stream.linear.gather [hbm4b:s2+s3], $0x1000, $0x38;
	[tilespmem:$0x19000] =	vst v63  }
0x21: {  	_ =	swait.ge [sflag:s16], $0x1000  }
0x22: {  	[sflag:s16] =	ssyncset.done $0x0  }
0x23: {  	[sflag:s16] =	ssyncadd.s32 $0xFFFFF000  }
0x24: {  	[tilespmem:s19], [sflag:$0x1] =	stream.strided.gather [hbm4b:s6+s17], $0x4000, s18, s17, $0x38;
	[tilespmem:$0x19000] =	vst v63  }
0x25: {  	s8 =	rddreg [dreg:$0x4]  }
0x26: {  	[tilespmem:s20], [sflag:$0x2] =	stream.strided.gather [hbm4b:s8+s17], $0x4000, s18, s17, $0x38;
	[tilespmem:$0x19000] =	vst v63  }
0x27: {  	s2 =	simm.s32 $0x0;
	s15 =	rddreg [dreg:$0x5]  }
0x28: {  	[tilespmem:s21], [sflag:$0x3] =	stream.strided.gather [hbm4b:s15+s17], $0x4000, s18, s17, $0x38;
	[tilespmem:$0x19000] =	vst v63  }
.LBB2_2:
0x29: {  	p0 =	seq.s32 s2, $0x0  }
0x2a: {  	s3 =	simm.s32 @!p0 $0x4  }
0x2b: {  	_ =	swait.ge @!p0 [sflag:s3], $0x4000  }
0x2c: {  	[sflag:s3] =	ssyncset.done @!p0 $0x0  }
0x2d: {  	[sflag:s3] =	ssyncadd.s32 @!p0 $0xFFFFC000  }
0x2e: {  	_ =	swait.ge [sflag:s22], $0x4000  }
0x2f: {  	[sflag:s22] =	ssyncset.done $0x0  }
0x30: {  	s15 =	simm.s32 $0x40;
	[sflag:s22] =	ssyncadd.s32 $0xFFFFC000  }
0x31: {  	v0 =	vld [tilespmem:s15+$0xFFFFFFC0]  }
0x32: {  	v1 =	vld [tilespmem:s15+$0x10]  }
0x33: {  	v3 =	vld [tilespmem:s15+$0xFFFFFFE0]  }
0x34: {  	v2 =	vld [tilespmem:s15+$0x0];
	_ =	sdelay $0x1  }
0x35: {  	v6 =	vld [tilespmem:s15+$0x20]  }
0x36: {  	v7 =	vld [tilespmem:s15+$0xFFFFFFF0];
	v4 =	vshll.u32 v0, $0x2;
	v0 =	vand.u32 $0x7F, v0;
	v5 =	vshll.u32 v1, $0x2  }
0x37: {  	v1 =	vand.u32 $0x7F, v1;
	v9 =	vshll.u32 v3, $0x2;
	v4 =	vand.u32 $0xFFFFFE00, v4  }
0x38: {  	v8 =	vld [tilespmem:s15+$0xFFFFFFD0];
	v3 =	vand.u32 $0x7F, v3;
	v4 =	vor.u32 v0, v4;
	v0 =	vshll.u32 v2, $0x2  }
0x39: {  	v5 =	vand.u32 $0xFFFFFE00, v5;
	v2 =	vand.u32 $0x7F, v2;
	v0 =	vand.u32 $0xFFFFFE00, v0  }
0x3a: {  	v5 =	vor.u32 v1, v5;
	v0 =	vor.u32 v2, v0;
	v2 =	vand.u32 $0xFFFFFE00, v9;
	v9 =	vld [tilespmem:s15+$0x30]  }
0x3b: {  	v11 =	vand.u32 $0x7F, v7;
	v2 =	vor.u32 v3, v2;
	v3 =	vshll.u32 v6, $0x2  }
0x3c: {  	v1 =	vand.u32 $0x7F, v6;
	v12 =	vor.u32 $0x80, v4;
	v3 =	vand.u32 $0xFFFFFE00, v3  }
0x3d: {  	v6 =	vshll.u32 v7, $0x2;
	v10 =	vld.idx.msk [tilespmem:v4+s19+$0x0], $0xffff;
	v1 =	vor.u32 v1, v3;
	v3 =	vshll.u32 v8, $0x2  }
0x3e: {  	v6 =	vand.u32 $0xFFFFFE00, v6;
	v8 =	vand.u32 $0x7F, v8;
	v3 =	vand.u32 $0xFFFFFE00, v3  }
0x3f: {  	v6 =	vor.u32 v11, v6;
	v17 =	vld.idx.msk [tilespmem:v5+s19+$0x0], $0xffff;
	v7 =	vor.u32 v8, v3;
	v3 =	vshll.u32 v9, $0x2  }
0x40: {  	v13 =	vld.idx.msk [tilespmem:v0+s19+$0x0], $0xffff;
	v8 =	vand.u32 $0x7F, v9;
	v3 =	vand.u32 $0xFFFFFE00, v3  }
0x41: {  	s3 =	simm.s32 $0xD100;
	v11 =	vld.idx.msk [tilespmem:v2+s19+$0x0], $0xffff;
	v3 =	vor.u32 v8, v3  }
0x42: {  	v20 =	vor.u32 $0x80, v0;
	[tilespmem:s3+$0xFFFFFF00] =	vst v10;
	v10 =	vld.idx.msk [tilespmem:v1+s19+$0x0], $0xffff  }
0x43: {  	v18 =	vld.idx.msk [tilespmem:v12+s19+$0x0], $0xffff;
	v12 =	vor.u32 $0x80, v5  }
0x44: {  	v15 =	vor.u32 $0x80, v2;
	v16 =	vld.idx.msk [tilespmem:v6+s19+$0x0], $0xffff  }
0x45: {  	s5 =	simm.s32 $0x0;
	s7 =	simm.s32 $0xC0;
	s8 =	simm.s32 $0xD100;
	v9 =	vor.u32 $0x80, v1;
	v14 =	vor.u32 $0x80, v7;
	v8 =	vor.u32 $0x80, v3;
	v19 =	vld.idx.msk [tilespmem:v7+s19+$0x0], $0xffff  }
.LBB2_3:
0x46: {  	s5 =	sadd.s32 $0x8, s5;
	[tilespmem:s3+$0xFFFFFF40] =	vst v13;
	v13 =	vld.idx.msk [tilespmem:v3+s19+$0x0], $0xffff;
	s8 =	sadd.s32 $0x200, s8  }
0x47: {  	p1 =	slt.u32 s5, $0xF8;
	v20 =	vld.idx.msk [tilespmem:v20+s19+$0x0], $0xffff;
	[tilespmem:s3+$0xFFFFFF50] =	vst v17  }
0x48: {  	v17 =	vor.u32 $0x100, v4;
	v12 =	vld.idx.msk [tilespmem:v12+s19+$0x0], $0xffff  }
0x49: {  	v21 =	vld [tilespmem:s7+$0x10];
	[tilespmem:s3+$0xFFFFFF80] =	vst v18  }
0x4a: {  	v18 =	vld [tilespmem:s7+$0xFFFFFFE0];
	[tilespmem:s3+$0xFFFFFF10] =	vst v19;
	v19 =	vor.u32 $0x80, v6  }
0x4b: {  	v14 =	vld.idx.msk [tilespmem:v14+s19+$0x0], $0xffff;
	[tilespmem:s3+$0xFFFFFF20] =	vst v11  }
0x4c: {  	v11 =	vld.idx.msk [tilespmem:v15+s19+$0x0], $0xffff;
	[tilespmem:s3+$0xFFFFFF70] =	vst v13  }
0x4d: {  	v13 =	vld.idx.msk [tilespmem:v17+s19+$0x0], $0xffff;
	[tilespmem:s3+$0xFFFFFFC0] =	vst v20  }
0x4e: {  	v15 =	vld [tilespmem:s7+$0xFFFFFFF0];
	[tilespmem:s3+$0xFFFFFF30] =	vst v16  }
0x4f: {  	v16 =	vld.idx.msk [tilespmem:v19+s19+$0x0], $0xffff;
	[tilespmem:s3+$0xFFFFFFD0] =	vst v12  }
0x50: {  	v12 =	vld [tilespmem:s7+$0xFFFFFFC0];
	[tilespmem:s3+$0xFFFFFF60] =	vst v10  }
0x51: {  	[tilespmem:s3+$0xFFFFFF90] =	vst v14;
	v8 =	vld.idx.msk [tilespmem:v8+s19+$0x0], $0xffff  }
0x52: {  	v10 =	vld [tilespmem:s7+$0x20];
	[tilespmem:s3+$0xFFFFFFA0] =	vst v11;
	v11 =	vor.u32 $0x100, v5  }
0x53: {  	v14 =	vld [tilespmem:s7+$0x30];
	[tilespmem:s3+$0x0] =	vst v13;
	v13 =	vor.u32 $0x100, v7  }
0x54: {  	v19 =	vor.u32 $0x100, v6;
	v17 =	vld [tilespmem:s7+$0xFFFFFFD0]  }
0x55: {  	v20 =	vor.u32 $0x180, v4;
	[tilespmem:s3+$0xFFFFFFB0] =	vst v16;
	v9 =	vld.idx.msk [tilespmem:v9+s19+$0x0], $0xffff  }
0x56: {  	v22 =	vor.u32 $0x100, v2;
	v23 =	vor.u32 $0x180, v5;
	v5 =	vor.u32 $0x100, v1;
	v16 =	vld [tilespmem:s7+$0x0]  }
0x57: {  	v24 =	vor.u32 $0x100, v0;
	v4 =	vshll.u32 v12, $0x2;
	v11 =	vld.idx.msk [tilespmem:v11+s19+$0x0], $0xffff;
	[tilespmem:s3+$0xFFFFFFF0] =	vst v8;
	v8 =	vor.u32 $0x100, v3  }
0x58: {  	v4 =	vand.u32 $0xFFFFFE00, v4;
	v25 =	vand.u32 $0x7F, v14;
	v14 =	vshll.u32 v14, $0x2;
	v13 =	vld.idx.msk [tilespmem:v13+s19+$0x0], $0xffff  }
0x59: {  	v6 =	vor.u32 $0x180, v6;
	v12 =	vand.u32 $0x7F, v12;
	v14 =	vand.u32 $0xFFFFFE00, v14;
	v19 =	vld.idx.msk [tilespmem:v19+s19+$0x0], $0xffff  }
0x5a: {  	v7 =	vor.u32 $0x180, v7;
	v4 =	vor.u32 v12, v4;
	v12 =	vshll.u32 v21, $0x2;
	v20 =	vld.idx.msk [tilespmem:v20+s19+$0x0], $0xffff  }
0x5b: {  	v26 =	vshll.u32 v15, $0x2;
	v14 =	vor.u32 v25, v14;
	v27 =	vshll.u32 v16, $0x2;
	v22 =	vld.idx.msk [tilespmem:v22+s19+$0x0], $0xffff;
	[tilespmem:s3+$0xFFFFFFE0] =	vst v9  }
0x5c: {  	v21 =	vand.u32 $0x7F, v21;
	v9 =	vand.u32 $0xFFFFFE00, v26;
	v16 =	vand.u32 $0x7F, v16;
	v25 =	vld.idx.msk [tilespmem:v5+s19+$0x0], $0xffff  }
0x5d: {  	v12 =	vand.u32 $0xFFFFFE00, v12;
	v26 =	vor.u32 $0x180, v2;
	v5 =	vand.u32 $0xFFFFFE00, v27;
	[tilespmem:s3+$0x50] =	vst v11;
	v8 =	vld.idx.msk [tilespmem:v8+s19+$0x0], $0xffff  }
0x5e: {  	v2 =	vshll.u32 v18, $0x2;
	v11 =	vor.u32 v16, v5;
	v5 =	vor.u32 v21, v12;
	[tilespmem:s3+$0x10] =	vst v13;
	v12 =	vld.idx.msk [tilespmem:v24+s19+$0x0], $0xffff  }
0x5f: {  	v2 =	vand.u32 $0xFFFFFE00, v2;
	v13 =	vor.u32 $0x180, v3;
	v3 =	vmov v14;
	v7 =	vld.idx.msk [tilespmem:v7+s19+$0x0], $0xffff;
	[tilespmem:s3+$0x30] =	vst v19  }
0x60: {  	v14 =	vand.u32 $0x7F, v18;
	v18 =	vor.u32 $0x180, v0;
	v0 =	vmovc v11;
	v19 =	vor.u32 $0x180, v1;
	[tilespmem:s3+$0x80] =	vst v20;
	v16 =	vld.idx.msk [tilespmem:v6+s19+$0x0], $0xffff  }
0x61: {  	v21 =	vor.u32 $0x80, v4;
	v2 =	vor.u32 v14, v2;
	v1 =	vand.u32 $0x7F, v15;
	[tilespmem:s3+$0x20] =	vst v22;
	v11 =	vld.idx.msk [tilespmem:v23+s19+$0x0], $0xffff  }
0x62: {  	v6 =	vor.u32 v1, v9;
	v1 =	vshll.u32 v10, $0x2;
	v9 =	vld.idx.msk [tilespmem:v26+s19+$0x0], $0xffff;
	[tilespmem:s3+$0x60] =	vst v25  }
0x63: {  	v10 =	vand.u32 $0x7F, v10;
	v1 =	vand.u32 $0xFFFFFE00, v1;
	v15 =	vld.idx.msk [tilespmem:v4+s19+$0x0], $0xffff;
	[tilespmem:s3+$0x70] =	vst v8  }
0x64: {  	v1 =	vor.u32 v10, v1;
	[tilespmem:s3+$0x40] =	vst v12;
	v22 =	vld.idx.msk [tilespmem:v13+s19+$0x0], $0xffff  }
0x65: {  	v8 =	vshll.u32 v17, $0x2;
	v12 =	vor.u32 $0x80, v5;
	v13 =	vld.idx.msk [tilespmem:v0+s19+$0x0], $0xffff;
	[tilespmem:s3+$0x90] =	vst v7  }
0x66: {  	v10 =	vand.u32 $0xFFFFFE00, v8;
	v8 =	vor.u32 $0x80, v3;
	v7 =	vand.u32 $0x7F, v17;
	[tilespmem:s3+$0xB0] =	vst v16;
	v16 =	vld.idx.msk [tilespmem:v18+s19+$0x0], $0xffff  }
0x67: {  	v7 =	vor.u32 v7, v10;
	[tilespmem:s3+$0xD0] =	vst v11;
	v23 =	vld.idx.msk [tilespmem:v19+s19+$0x0], $0xffff  }
0x68: {  	v14 =	vor.u32 $0x80, v7;
	v11 =	vld.idx.msk [tilespmem:v2+s19+$0x0], $0xffff  }
.Ltmp2:
0x69: {  	[tilespmem:s8+$0xFFFFFF00] =	vst v15;
	v15 =	vor.u32 $0x80, v2;
	v17 =	vld.idx.msk [tilespmem:v5+s19+$0x0], $0xffff;
	(pc) =	sbr.rel @p1 .LBB2_3-.Ltmp2, $4  }
0x6a: {  	v20 =	vor.u32 $0x80, v0;
	v10 =	vld.idx.msk [tilespmem:v1+s19+$0x0], $0xffff;
	[tilespmem:s3+$0xF0] =	vst v22  }
0x6b: {  	v18 =	vld.idx.msk [tilespmem:v21+s19+$0x0], $0xffff;
	[tilespmem:s3+$0xA0] =	vst v9  }
0x6c: {  	v19 =	vld.idx.msk [tilespmem:v7+s19+$0x0], $0xffff;
	[tilespmem:s3+$0xC0] =	vst v16  }
0x6d: {  	s7 =	sadd.s32 $0x80, s7;
	v9 =	vor.u32 $0x80, v1;
	v16 =	vld.idx.msk [tilespmem:v6+s19+$0x0], $0xffff;
	[tilespmem:s3+$0xE0] =	vst v23;
	s3 =	smov.u32 s8  }
0x6e: {  	_ =	sdelay $0x2  }
0x6f: {  	[tilespmem:s3+$0xFFFFFF40] =	vst v13  }
0x70: {  	v13 =	vld.idx.msk [tilespmem:v3+s19+$0x0], $0xffff;
	[tilespmem:s3+$0xFFFFFF50] =	vst v17  }
0x71: {  	[tilespmem:s3+$0xFFFFFF20] =	vst v11;
	v17 =	vld.idx.msk [tilespmem:v20+s19+$0x0], $0xffff;
	v20 =	vor.u32 $0x100, v4  }
0x72: {  	[tilespmem:s3+$0xFFFFFF80] =	vst v18  }
0x73: {  	v12 =	vld.idx.msk [tilespmem:v12+s19+$0x0], $0xffff;
	v18 =	vor.u32 $0x80, v6;
	[tilespmem:s3+$0xFFFFFF10] =	vst v19  }
0x74: {  	[tilespmem:s3+$0xFFFFFF60] =	vst v10;
	v11 =	vld.idx.msk [tilespmem:v14+s19+$0x0], $0xffff  }
0x75: {  	[tilespmem:s3+$0xFFFFFF70] =	vst v13;
	v13 =	vld.idx.msk [tilespmem:v15+s19+$0x0], $0xffff  }
0x76: {  	v14 =	vor.u32 $0x100, v5;
	[tilespmem:s3+$0xFFFFFFC0] =	vst v17;
	v17 =	vld.idx.msk [tilespmem:v20+s19+$0x0], $0xffff  }
0x77: {  	v10 =	vor.u32 $0x100, v2;
	[tilespmem:s3+$0xFFFFFF30] =	vst v16;
	v8 =	vld.idx.msk [tilespmem:v8+s19+$0x0], $0xffff  }
0x78: {  	v16 =	vor.u32 $0x100, v7;
	[tilespmem:s3+$0xFFFFFFD0] =	vst v12;
	v15 =	vld.idx.msk [tilespmem:v18+s19+$0x0], $0xffff  }
0x79: {  	v4 =	vor.u32 $0x180, v4;
	[tilespmem:s3+$0xFFFFFF90] =	vst v11  }
0x7a: {  	v9 =	vld.idx.msk [tilespmem:v9+s19+$0x0], $0xffff;
	v12 =	vor.u32 $0x100, v6;
	[tilespmem:s3+$0xFFFFFFA0] =	vst v13  }
0x7b: {  	v11 =	vld.idx.msk [tilespmem:v14+s19+$0x0], $0xffff;
	v14 =	vor.u32 $0x100, v1;
	[tilespmem:s3+$0x0] =	vst v17  }
0x7c: {  	v13 =	vor.u32 $0x100, v3;
	[tilespmem:s3+$0xFFFFFFF0] =	vst v8;
	v8 =	vld.idx.msk [tilespmem:v10+s19+$0x0], $0xffff  }
0x7d: {  	v5 =	vor.u32 $0x180, v5;
	[tilespmem:s3+$0xFFFFFFB0] =	vst v15;
	v15 =	vld.idx.msk [tilespmem:v16+s19+$0x0], $0xffff  }
0x7e: {  	v16 =	vor.u32 $0x100, v0;
	v4 =	vld.idx.msk [tilespmem:v4+s19+$0x0], $0xffff  }
0x7f: {  	v2 =	vor.u32 $0x180, v2;
	[tilespmem:s3+$0xFFFFFFE0] =	vst v9;
	v12 =	vld.idx.msk [tilespmem:v12+s19+$0x0], $0xffff  }
0x80: {  	v7 =	vor.u32 $0x180, v7;
	[tilespmem:s3+$0x50] =	vst v11;
	v10 =	vld.idx.msk [tilespmem:v14+s19+$0x0], $0xffff  }
0x81: {  	v6 =	vor.u32 $0x180, v6;
	v9 =	vld.idx.msk [tilespmem:v13+s19+$0x0], $0xffff;
	[tilespmem:s3+$0x20] =	vst v8  }
0x82: {  	v1 =	vor.u32 $0x180, v1;
	v5 =	vld.idx.msk [tilespmem:v5+s19+$0x0], $0xffff;
	[tilespmem:s3+$0x10] =	vst v15  }
0x83: {  	v3 =	vor.u32 $0x180, v3;
	v11 =	vld.idx.msk [tilespmem:v16+s19+$0x0], $0xffff;
	[tilespmem:s3+$0x80] =	vst v4  }
0x84: {  	v0 =	vor.u32 $0x180, v0;
	v2 =	vld.idx.msk [tilespmem:v2+s19+$0x0], $0xffff;
	[tilespmem:s3+$0x30] =	vst v12  }
0x85: {  	v7 =	vld.idx.msk [tilespmem:v7+s19+$0x0], $0xffff;
	[tilespmem:s3+$0x60] =	vst v10  }
0x86: {  	v4 =	vld.idx.msk [tilespmem:v6+s19+$0x0], $0xffff;
	[tilespmem:s3+$0x70] =	vst v9  }
0x87: {  	v1 =	vld.idx.msk [tilespmem:v1+s19+$0x0], $0xffff;
	[tilespmem:s3+$0xD0] =	vst v5  }
0x88: {  	v3 =	vld.idx.msk [tilespmem:v3+s19+$0x0], $0xffff;
	[tilespmem:s3+$0x40] =	vst v11  }
0x89: {  	[tilespmem:s3+$0xA0] =	vst v2;
	v0 =	vld.idx.msk [tilespmem:v0+s19+$0x0], $0xffff  }
0x8a: {  	s5 =	smul.u32 $0x30000, s2;
	[tilespmem:s3+$0x90] =	vst v7  }
0x8b: {  	p1 =	seq.s32 s2, $0x2A;
	[tilespmem:s3+$0xB0] =	vst v4  }
0x8c: {  	s8 =	sadd.s32 s5, s9;
	s5 =	smul.u32 @!p1 $0x180000, s2;
	[tilespmem:s3+$0xE0] =	vst v1  }
0x8d: {  	[tilespmem:s3+$0xF0] =	vst v3  }
0x8e: {  	p2 =	seq.s32 @!p1 s2, $0x0;
	[tilespmem:s3+$0xC0] =	vst v0;
	s3 =	sadd.s32 @!p1 s10, s5  }
0x8f: {  	[hbm4b:s8+s17] =	stream.strided.scatter [tilespmem:s23], [sflag:$0x4], $0x4000, s18, s17, $0x38;
	[tilespmem:$0x19000] =	vst v63  }
0x90: {  	s7 =	simm.s32 @!p1 $0x400;
	p2 =	por p1, !p2;
	s3 =	sshrl.u32 @!p1 s3, $0x3  }
0x91: {  	s5 =	simm.s32 @!p1 $0x200;
	s8 =	simm.s32 @!p1 $0x1000;
	s3 =	sadd.s32 @!p1 s1, s3  }
0x92: {  	[tilespmem:s8], [sflag:$0x1] =	stream.strided.gather @!p1 [hbm4b:s3+s5], $0x4000, s7, s5, $0x38;
	[tilespmem:$0x19000] =	vst v63  }
0x93: {  	_ =	swait.ge @p2 [sflag:s29], $0x4000  }
0x94: {  	[sflag:s29] =	ssyncset.done @p2 $0x0  }
0x95: {  	[sflag:s29] =	ssyncadd.s32 @p2 $0xFFFFC000  }
0x96: {  	_ =	swait.ge [sflag:s24], $0x4000  }
0x97: {  	[sflag:s24] =	ssyncset.done $0x0  }
0x98: {  	s15 =	simm.s32 $0x40;
	[sflag:s24] =	ssyncadd.s32 $0xFFFFC000  }
0x99: {  	v0 =	vld [tilespmem:s15+$0xFFFFFFC0]  }
0x9a: {  	v1 =	vld [tilespmem:s15+$0x10]  }
0x9b: {  	v3 =	vld [tilespmem:s15+$0xFFFFFFE0]  }
0x9c: {  	v2 =	vld [tilespmem:s15+$0x0];
	_ =	sdelay $0x1  }
0x9d: {  	v6 =	vld [tilespmem:s15+$0x20]  }
0x9e: {  	v7 =	vld [tilespmem:s15+$0xFFFFFFF0];
	v4 =	vshll.u32 v0, $0x2;
	v0 =	vand.u32 $0x7F, v0;
	v5 =	vshll.u32 v1, $0x2  }
0x9f: {  	v1 =	vand.u32 $0x7F, v1;
	v9 =	vshll.u32 v3, $0x2;
	v4 =	vand.u32 $0xFFFFFE00, v4  }
0xa0: {  	v8 =	vld [tilespmem:s15+$0xFFFFFFD0];
	v3 =	vand.u32 $0x7F, v3;
	v4 =	vor.u32 v0, v4;
	v0 =	vshll.u32 v2, $0x2  }
0xa1: {  	v5 =	vand.u32 $0xFFFFFE00, v5;
	v2 =	vand.u32 $0x7F, v2;
	v0 =	vand.u32 $0xFFFFFE00, v0  }
0xa2: {  	v5 =	vor.u32 v1, v5;
	v0 =	vor.u32 v2, v0;
	v2 =	vand.u32 $0xFFFFFE00, v9;
	v9 =	vld [tilespmem:s15+$0x30]  }
0xa3: {  	v11 =	vand.u32 $0x7F, v7;
	v2 =	vor.u32 v3, v2;
	v3 =	vshll.u32 v6, $0x2  }
0xa4: {  	v1 =	vand.u32 $0x7F, v6;
	v12 =	vor.u32 $0x80, v4;
	v3 =	vand.u32 $0xFFFFFE00, v3  }
0xa5: {  	v6 =	vshll.u32 v7, $0x2;
	v10 =	vld.idx.msk [tilespmem:v4+s20+$0x0], $0xffff;
	v1 =	vor.u32 v1, v3;
	v3 =	vshll.u32 v8, $0x2  }
0xa6: {  	v6 =	vand.u32 $0xFFFFFE00, v6;
	v8 =	vand.u32 $0x7F, v8;
	v3 =	vand.u32 $0xFFFFFE00, v3  }
0xa7: {  	v6 =	vor.u32 v11, v6;
	v17 =	vld.idx.msk [tilespmem:v5+s20+$0x0], $0xffff;
	v7 =	vor.u32 v8, v3;
	v3 =	vshll.u32 v9, $0x2  }
0xa8: {  	v13 =	vld.idx.msk [tilespmem:v0+s20+$0x0], $0xffff;
	v8 =	vand.u32 $0x7F, v9;
	v3 =	vand.u32 $0xFFFFFE00, v3  }
0xa9: {  	s5 =	simm.s32 $0x11100;
	v11 =	vld.idx.msk [tilespmem:v2+s20+$0x0], $0xffff;
	v3 =	vor.u32 v8, v3  }
0xaa: {  	v20 =	vor.u32 $0x80, v0;
	[tilespmem:s5+$0xFFFFFF00] =	vst v10;
	v10 =	vld.idx.msk [tilespmem:v1+s20+$0x0], $0xffff  }
0xab: {  	v18 =	vld.idx.msk [tilespmem:v12+s20+$0x0], $0xffff;
	v12 =	vor.u32 $0x80, v5  }
0xac: {  	v15 =	vor.u32 $0x80, v2;
	v16 =	vld.idx.msk [tilespmem:v6+s20+$0x0], $0xffff  }
0xad: {  	s3 =	simm.s32 $0x0;
	s7 =	simm.s32 $0xC0;
	s8 =	simm.s32 $0x11100;
	v9 =	vor.u32 $0x80, v1;
	v14 =	vor.u32 $0x80, v7;
	v8 =	vor.u32 $0x80, v3;
	v19 =	vld.idx.msk [tilespmem:v7+s20+$0x0], $0xffff  }
.LBB2_5:
0xae: {  	s3 =	sadd.s32 $0x8, s3;
	[tilespmem:s5+$0xFFFFFF40] =	vst v13;
	v13 =	vld.idx.msk [tilespmem:v3+s20+$0x0], $0xffff;
	s8 =	sadd.s32 $0x200, s8  }
0xaf: {  	p2 =	slt.u32 s3, $0xF8;
	v20 =	vld.idx.msk [tilespmem:v20+s20+$0x0], $0xffff;
	[tilespmem:s5+$0xFFFFFF50] =	vst v17  }
0xb0: {  	v17 =	vor.u32 $0x100, v4;
	v12 =	vld.idx.msk [tilespmem:v12+s20+$0x0], $0xffff  }
0xb1: {  	v21 =	vld [tilespmem:s7+$0x10];
	[tilespmem:s5+$0xFFFFFF80] =	vst v18  }
0xb2: {  	v18 =	vld [tilespmem:s7+$0xFFFFFFE0];
	[tilespmem:s5+$0xFFFFFF10] =	vst v19;
	v19 =	vor.u32 $0x80, v6  }
0xb3: {  	v14 =	vld.idx.msk [tilespmem:v14+s20+$0x0], $0xffff;
	[tilespmem:s5+$0xFFFFFF20] =	vst v11  }
0xb4: {  	v11 =	vld.idx.msk [tilespmem:v15+s20+$0x0], $0xffff;
	[tilespmem:s5+$0xFFFFFF70] =	vst v13  }
0xb5: {  	v13 =	vld.idx.msk [tilespmem:v17+s20+$0x0], $0xffff;
	[tilespmem:s5+$0xFFFFFFC0] =	vst v20  }
0xb6: {  	v15 =	vld [tilespmem:s7+$0xFFFFFFF0];
	[tilespmem:s5+$0xFFFFFF30] =	vst v16  }
0xb7: {  	v16 =	vld.idx.msk [tilespmem:v19+s20+$0x0], $0xffff;
	[tilespmem:s5+$0xFFFFFFD0] =	vst v12  }
0xb8: {  	v12 =	vld [tilespmem:s7+$0xFFFFFFC0];
	[tilespmem:s5+$0xFFFFFF60] =	vst v10  }
0xb9: {  	[tilespmem:s5+$0xFFFFFF90] =	vst v14;
	v8 =	vld.idx.msk [tilespmem:v8+s20+$0x0], $0xffff  }
0xba: {  	v10 =	vld [tilespmem:s7+$0x20];
	[tilespmem:s5+$0xFFFFFFA0] =	vst v11;
	v11 =	vor.u32 $0x100, v5  }
0xbb: {  	v14 =	vld [tilespmem:s7+$0x30];
	[tilespmem:s5+$0x0] =	vst v13;
	v13 =	vor.u32 $0x100, v7  }
0xbc: {  	v19 =	vor.u32 $0x100, v6;
	v17 =	vld [tilespmem:s7+$0xFFFFFFD0]  }
0xbd: {  	v20 =	vor.u32 $0x180, v4;
	[tilespmem:s5+$0xFFFFFFB0] =	vst v16;
	v9 =	vld.idx.msk [tilespmem:v9+s20+$0x0], $0xffff  }
0xbe: {  	v22 =	vor.u32 $0x100, v2;
	v23 =	vor.u32 $0x180, v5;
	v5 =	vor.u32 $0x100, v1;
	v16 =	vld [tilespmem:s7+$0x0]  }
0xbf: {  	v24 =	vor.u32 $0x100, v0;
	v4 =	vshll.u32 v12, $0x2;
	v11 =	vld.idx.msk [tilespmem:v11+s20+$0x0], $0xffff;
	[tilespmem:s5+$0xFFFFFFF0] =	vst v8;
	v8 =	vor.u32 $0x100, v3  }
0xc0: {  	v4 =	vand.u32 $0xFFFFFE00, v4;
	v25 =	vand.u32 $0x7F, v14;
	v14 =	vshll.u32 v14, $0x2;
	v13 =	vld.idx.msk [tilespmem:v13+s20+$0x0], $0xffff  }
0xc1: {  	v6 =	vor.u32 $0x180, v6;
	v12 =	vand.u32 $0x7F, v12;
	v14 =	vand.u32 $0xFFFFFE00, v14;
	v19 =	vld.idx.msk [tilespmem:v19+s20+$0x0], $0xffff  }
0xc2: {  	v7 =	vor.u32 $0x180, v7;
	v4 =	vor.u32 v12, v4;
	v12 =	vshll.u32 v21, $0x2;
	v20 =	vld.idx.msk [tilespmem:v20+s20+$0x0], $0xffff  }
0xc3: {  	v26 =	vshll.u32 v15, $0x2;
	v14 =	vor.u32 v25, v14;
	v27 =	vshll.u32 v16, $0x2;
	v22 =	vld.idx.msk [tilespmem:v22+s20+$0x0], $0xffff;
	[tilespmem:s5+$0xFFFFFFE0] =	vst v9  }
0xc4: {  	v21 =	vand.u32 $0x7F, v21;
	v9 =	vand.u32 $0xFFFFFE00, v26;
	v16 =	vand.u32 $0x7F, v16;
	v25 =	vld.idx.msk [tilespmem:v5+s20+$0x0], $0xffff  }
0xc5: {  	v12 =	vand.u32 $0xFFFFFE00, v12;
	v26 =	vor.u32 $0x180, v2;
	v5 =	vand.u32 $0xFFFFFE00, v27;
	[tilespmem:s5+$0x50] =	vst v11;
	v8 =	vld.idx.msk [tilespmem:v8+s20+$0x0], $0xffff  }
0xc6: {  	v2 =	vshll.u32 v18, $0x2;
	v11 =	vor.u32 v16, v5;
	v5 =	vor.u32 v21, v12;
	[tilespmem:s5+$0x10] =	vst v13;
	v12 =	vld.idx.msk [tilespmem:v24+s20+$0x0], $0xffff  }
0xc7: {  	v2 =	vand.u32 $0xFFFFFE00, v2;
	v13 =	vor.u32 $0x180, v3;
	v3 =	vmov v14;
	v7 =	vld.idx.msk [tilespmem:v7+s20+$0x0], $0xffff;
	[tilespmem:s5+$0x30] =	vst v19  }
0xc8: {  	v14 =	vand.u32 $0x7F, v18;
	v18 =	vor.u32 $0x180, v0;
	v0 =	vmovc v11;
	v19 =	vor.u32 $0x180, v1;
	[tilespmem:s5+$0x80] =	vst v20;
	v16 =	vld.idx.msk [tilespmem:v6+s20+$0x0], $0xffff  }
0xc9: {  	v21 =	vor.u32 $0x80, v4;
	v2 =	vor.u32 v14, v2;
	v1 =	vand.u32 $0x7F, v15;
	[tilespmem:s5+$0x20] =	vst v22;
	v11 =	vld.idx.msk [tilespmem:v23+s20+$0x0], $0xffff  }
0xca: {  	v6 =	vor.u32 v1, v9;
	v1 =	vshll.u32 v10, $0x2;
	v9 =	vld.idx.msk [tilespmem:v26+s20+$0x0], $0xffff;
	[tilespmem:s5+$0x60] =	vst v25  }
0xcb: {  	v10 =	vand.u32 $0x7F, v10;
	v1 =	vand.u32 $0xFFFFFE00, v1;
	v15 =	vld.idx.msk [tilespmem:v4+s20+$0x0], $0xffff;
	[tilespmem:s5+$0x70] =	vst v8  }
0xcc: {  	v1 =	vor.u32 v10, v1;
	[tilespmem:s5+$0x40] =	vst v12;
	v22 =	vld.idx.msk [tilespmem:v13+s20+$0x0], $0xffff  }
0xcd: {  	v8 =	vshll.u32 v17, $0x2;
	v12 =	vor.u32 $0x80, v5;
	v13 =	vld.idx.msk [tilespmem:v0+s20+$0x0], $0xffff;
	[tilespmem:s5+$0x90] =	vst v7  }
0xce: {  	v10 =	vand.u32 $0xFFFFFE00, v8;
	v8 =	vor.u32 $0x80, v3;
	v7 =	vand.u32 $0x7F, v17;
	[tilespmem:s5+$0xB0] =	vst v16;
	v16 =	vld.idx.msk [tilespmem:v18+s20+$0x0], $0xffff  }
0xcf: {  	v7 =	vor.u32 v7, v10;
	[tilespmem:s5+$0xD0] =	vst v11;
	v23 =	vld.idx.msk [tilespmem:v19+s20+$0x0], $0xffff  }
0xd0: {  	v14 =	vor.u32 $0x80, v7;
	v11 =	vld.idx.msk [tilespmem:v2+s20+$0x0], $0xffff  }
.Ltmp3:
0xd1: {  	[tilespmem:s8+$0xFFFFFF00] =	vst v15;
	v15 =	vor.u32 $0x80, v2;
	v17 =	vld.idx.msk [tilespmem:v5+s20+$0x0], $0xffff;
	(pc) =	sbr.rel @p2 .LBB2_5-.Ltmp3, $4  }
0xd2: {  	v20 =	vor.u32 $0x80, v0;
	v10 =	vld.idx.msk [tilespmem:v1+s20+$0x0], $0xffff;
	[tilespmem:s5+$0xF0] =	vst v22  }
0xd3: {  	v18 =	vld.idx.msk [tilespmem:v21+s20+$0x0], $0xffff;
	[tilespmem:s5+$0xA0] =	vst v9  }
0xd4: {  	v19 =	vld.idx.msk [tilespmem:v7+s20+$0x0], $0xffff;
	[tilespmem:s5+$0xC0] =	vst v16  }
0xd5: {  	s7 =	sadd.s32 $0x80, s7;
	v9 =	vor.u32 $0x80, v1;
	v16 =	vld.idx.msk [tilespmem:v6+s20+$0x0], $0xffff;
	[tilespmem:s5+$0xE0] =	vst v23;
	s5 =	smov.u32 s8  }
0xd6: {  	_ =	sdelay $0x1  }
0xd7: {  	[tilespmem:s5+$0xFFFFFF40] =	vst v13  }
0xd8: {  	[tilespmem:s5+$0xFFFFFF50] =	vst v17  }
0xd9: {  	v34 =	vld.idx.msk [tilespmem:v3+s20+$0x0], $0xffff;
	[tilespmem:s5+$0xFFFFFF20] =	vst v11  }
0xda: {  	v36 =	vor.u32 $0x80, v6;
	v35 =	vld.idx.msk [tilespmem:v20+s20+$0x0], $0xffff;
	[tilespmem:s5+$0xFFFFFF60] =	vst v10  }
0xdb: {  	v37 =	vor.u32 $0x100, v4;
	v12 =	vld.idx.msk [tilespmem:v12+s20+$0x0], $0xffff;
	[tilespmem:s5+$0xFFFFFF80] =	vst v18  }
0xdc: {  	v39 =	vld.idx.msk [tilespmem:v15+s20+$0x0], $0xffff;
	[tilespmem:s5+$0xFFFFFF10] =	vst v19  }
0xdd: {  	v40 =	vor.u32 $0x100, v5;
	v9 =	vld.idx.msk [tilespmem:v9+s20+$0x0], $0xffff;
	[tilespmem:s5+$0xFFFFFF30] =	vst v16  }
0xde: {  	v46 =	vor.u32 $0x100, v2;
	v38 =	vld.idx.msk [tilespmem:v14+s20+$0x0], $0xffff;
	[tilespmem:s5+$0xFFFFFF70] =	vst v34  }
0xdf: {  	v51 =	vor.u32 $0x100, v0;
	v41 =	vld.idx.msk [tilespmem:v36+s20+$0x0], $0xffff;
	[tilespmem:s5+$0xFFFFFFC0] =	vst v35  }
0xe0: {  	v49 =	vor.u32 $0x100, v1;
	v43 =	vld.idx.msk [tilespmem:v37+s20+$0x0], $0xffff;
	[tilespmem:s5+$0xFFFFFFD0] =	vst v12  }
0xe1: {  	v42 =	vor.u32 $0x100, v7;
	v8 =	vld.idx.msk [tilespmem:v8+s20+$0x0], $0xffff;
	[tilespmem:s5+$0xFFFFFFA0] =	vst v39  }
0xe2: {  	v44 =	vor.u32 $0x100, v6;
	v47 =	vld.idx.msk [tilespmem:v40+s20+$0x0], $0xffff;
	[tilespmem:s5+$0xFFFFFFE0] =	vst v9  }
0xe3: {  	v45 =	vor.u32 $0x180, v4;
	v54 =	vld.idx.msk [tilespmem:v46+s20+$0x0], $0xffff;
	[tilespmem:s5+$0xFFFFFF90] =	vst v38  }
0xe4: {  	v48 =	vor.u32 $0x100, v3;
	v60 =	vld.idx.msk [tilespmem:v51+s20+$0x0], $0xffff;
	[tilespmem:s5+$0xFFFFFFB0] =	vst v41  }
0xe5: {  	v55 =	vor.u32 $0x180, v5;
	v57 =	vld.idx.msk [tilespmem:v49+s20+$0x0], $0xffff;
	[tilespmem:s5+$0x0] =	vst v43  }
0xe6: {  	v59 =	vor.u32 $0x180, v2;
	v50 =	vld.idx.msk [tilespmem:v42+s20+$0x0], $0xffff;
	[tilespmem:s5+$0xFFFFFFF0] =	vst v8  }
0xe7: {  	v61 =	vor.u32 $0x180, v0;
	v12 =	vld.idx.msk [tilespmem:v44+s20+$0x0], $0xffff;
	[tilespmem:s5+$0x50] =	vst v47  }
0xe8: {  	v63 =	vor.u32 $0x180, v1;
	v4 =	vld.idx.msk [tilespmem:v45+s20+$0x0], $0xffff;
	[tilespmem:s5+$0x20] =	vst v54  }
0xe9: {  	v52 =	vor.u32 $0x180, v7;
	v56 =	vld.idx.msk [tilespmem:v48+s20+$0x0], $0xffff;
	[tilespmem:s5+$0x40] =	vst v60  }
0xea: {  	v53 =	vor.u32 $0x180, v6;
	v5 =	vld.idx.msk [tilespmem:v55+s20+$0x0], $0xffff;
	[tilespmem:s5+$0x60] =	vst v57  }
0xeb: {  	v58 =	vor.u32 $0x180, v3;
	v2 =	vld.idx.msk [tilespmem:v59+s20+$0x0], $0xffff;
	[tilespmem:s5+$0x10] =	vst v50  }
0xec: {  	v0 =	vld.idx.msk [tilespmem:v61+s20+$0x0], $0xffff;
	[tilespmem:s5+$0x30] =	vst v12  }
0xed: {  	v1 =	vld.idx.msk [tilespmem:v63+s20+$0x0], $0xffff;
	[tilespmem:s5+$0x80] =	vst v4  }
0xee: {  	v7 =	vld.idx.msk [tilespmem:v52+s20+$0x0], $0xffff;
	[tilespmem:s5+$0x70] =	vst v56  }
0xef: {  	v62 =	vld.idx.msk [tilespmem:v53+s20+$0x0], $0xffff;
	[tilespmem:s5+$0xD0] =	vst v5  }
0xf0: {  	v3 =	vld.idx.msk [tilespmem:v58+s20+$0x0], $0xffff;
	[tilespmem:s5+$0xA0] =	vst v2  }
0xf1: {  	s3 =	smul.u32 $0x180000, s2;
	[tilespmem:s5+$0xC0] =	vst v0  }
.Ltmp4:
0xf2: {  	[tilespmem:s5+$0xE0] =	vst v1;
	(pc) =	sbr.rel @p1 .LBB2_10-.Ltmp4, $4  }
0xf3: {  	s7 =	sadd.s32 s11, s3;
	[tilespmem:s5+$0x90] =	vst v7  }
0xf4: {  	s7 =	sshrl.u32 s7, $0x3;
	[tilespmem:s5+$0xB0] =	vst v62  }
0xf5: {  	s15 =	sadd.s32 s4, s7;
	[tilespmem:s5+$0xF0] =	vst v3  }
0xf6: {  	[hbm4b:s15+s17] =	stream.strided.scatter [tilespmem:s25], [sflag:$0x5], $0x4000, s18, s17, $0x38;
	[tilespmem:$0x19000] =	vst v63  }
0xf7: {  	s5 =	sadd.s32 s12, s3  }
0xf8: {  	s5 =	sshrl.u32 s5, $0x3  }
0xf9: {  	s5 =	sadd.s32 s1, s5  }
0xfa: {  	[tilespmem:s20], [sflag:$0x2] =	stream.strided.gather [hbm4b:s5+s17], $0x4000, s18, s17, $0x38;
	[tilespmem:$0x19000] =	vst v63  }
0xfb: {  	s5 =	simm.s32 @!p0 $0x6  }
0xfc: {  	_ =	swait.ge @!p0 [sflag:s5], $0x4000  }
0xfd: {  	[sflag:s5] =	ssyncset.done @!p0 $0x0  }
0xfe: {  	[sflag:s5] =	ssyncadd.s32 @!p0 $0xFFFFC000  }
0xff: {  	_ =	swait.ge [sflag:s30], $0x4000  }
0x100: {  	[sflag:s30] =	ssyncset.done $0x0  }
0x101: {  	s15 =	simm.s32 $0x40;
	[sflag:s30] =	ssyncadd.s32 $0xFFFFC000  }
0x102: {  	v0 =	vld [tilespmem:s15+$0xFFFFFFC0]  }
0x103: {  	v1 =	vld [tilespmem:s15+$0x10]  }
0x104: {  	v3 =	vld [tilespmem:s15+$0xFFFFFFE0]  }
0x105: {  	v2 =	vld [tilespmem:s15+$0x0];
	_ =	sdelay $0x1  }
0x106: {  	v6 =	vld [tilespmem:s15+$0x20]  }
0x107: {  	v7 =	vld [tilespmem:s15+$0xFFFFFFF0];
	v4 =	vshll.u32 v0, $0x2;
	v0 =	vand.u32 $0x7F, v0;
	v5 =	vshll.u32 v1, $0x2  }
0x108: {  	v1 =	vand.u32 $0x7F, v1;
	v9 =	vshll.u32 v3, $0x2;
	v4 =	vand.u32 $0xFFFFFE00, v4  }
0x109: {  	v8 =	vld [tilespmem:s15+$0xFFFFFFD0];
	v3 =	vand.u32 $0x7F, v3;
	v4 =	vor.u32 v0, v4;
	v0 =	vshll.u32 v2, $0x2  }
0x10a: {  	v5 =	vand.u32 $0xFFFFFE00, v5;
	v2 =	vand.u32 $0x7F, v2;
	v0 =	vand.u32 $0xFFFFFE00, v0  }
0x10b: {  	v5 =	vor.u32 v1, v5;
	v0 =	vor.u32 v2, v0;
	v2 =	vand.u32 $0xFFFFFE00, v9;
	v9 =	vld [tilespmem:s15+$0x30]  }
0x10c: {  	v11 =	vand.u32 $0x7F, v7;
	v2 =	vor.u32 v3, v2;
	v3 =	vshll.u32 v6, $0x2  }
0x10d: {  	v1 =	vand.u32 $0x7F, v6;
	v12 =	vor.u32 $0x80, v4;
	v3 =	vand.u32 $0xFFFFFE00, v3  }
0x10e: {  	v6 =	vshll.u32 v7, $0x2;
	v10 =	vld.idx.msk [tilespmem:v4+s21+$0x0], $0xffff;
	v1 =	vor.u32 v1, v3;
	v3 =	vshll.u32 v8, $0x2  }
0x10f: {  	v6 =	vand.u32 $0xFFFFFE00, v6;
	v8 =	vand.u32 $0x7F, v8;
	v3 =	vand.u32 $0xFFFFFE00, v3  }
0x110: {  	v6 =	vor.u32 v11, v6;
	v17 =	vld.idx.msk [tilespmem:v5+s21+$0x0], $0xffff;
	v7 =	vor.u32 v8, v3;
	v3 =	vshll.u32 v9, $0x2  }
0x111: {  	v13 =	vld.idx.msk [tilespmem:v0+s21+$0x0], $0xffff;
	v8 =	vand.u32 $0x7F, v9;
	v3 =	vand.u32 $0xFFFFFE00, v3  }
0x112: {  	s5 =	simm.s32 $0x15100;
	v11 =	vld.idx.msk [tilespmem:v2+s21+$0x0], $0xffff;
	v3 =	vor.u32 v8, v3  }
0x113: {  	v20 =	vor.u32 $0x80, v0;
	[tilespmem:s5+$0xFFFFFF00] =	vst v10;
	v10 =	vld.idx.msk [tilespmem:v1+s21+$0x0], $0xffff  }
0x114: {  	v18 =	vld.idx.msk [tilespmem:v12+s21+$0x0], $0xffff;
	v12 =	vor.u32 $0x80, v5  }
0x115: {  	v15 =	vor.u32 $0x80, v2;
	v16 =	vld.idx.msk [tilespmem:v6+s21+$0x0], $0xffff  }
0x116: {  	s7 =	simm.s32 $0x0;
	s8 =	simm.s32 $0xC0;
	s15 =	simm.s32 $0x15100;
	v9 =	vor.u32 $0x80, v1;
	v14 =	vor.u32 $0x80, v7;
	v8 =	vor.u32 $0x80, v3;
	v19 =	vld.idx.msk [tilespmem:v7+s21+$0x0], $0xffff  }
.LBB2_8:
0x117: {  	s7 =	sadd.s32 $0x8, s7;
	[tilespmem:s5+$0xFFFFFF40] =	vst v13;
	v13 =	vld.idx.msk [tilespmem:v3+s21+$0x0], $0xffff;
	s15 =	sadd.s32 $0x200, s15  }
0x118: {  	p0 =	slt.u32 s7, $0xF8;
	v20 =	vld.idx.msk [tilespmem:v20+s21+$0x0], $0xffff;
	[tilespmem:s5+$0xFFFFFF50] =	vst v17  }
0x119: {  	v17 =	vor.u32 $0x100, v4;
	v12 =	vld.idx.msk [tilespmem:v12+s21+$0x0], $0xffff  }
0x11a: {  	v21 =	vld [tilespmem:s8+$0x10];
	[tilespmem:s5+$0xFFFFFF80] =	vst v18  }
0x11b: {  	v18 =	vld [tilespmem:s8+$0xFFFFFFE0];
	[tilespmem:s5+$0xFFFFFF10] =	vst v19;
	v19 =	vor.u32 $0x80, v6  }
0x11c: {  	v14 =	vld.idx.msk [tilespmem:v14+s21+$0x0], $0xffff;
	[tilespmem:s5+$0xFFFFFF20] =	vst v11  }
0x11d: {  	v11 =	vld.idx.msk [tilespmem:v15+s21+$0x0], $0xffff;
	[tilespmem:s5+$0xFFFFFF70] =	vst v13  }
0x11e: {  	v13 =	vld.idx.msk [tilespmem:v17+s21+$0x0], $0xffff;
	[tilespmem:s5+$0xFFFFFFC0] =	vst v20  }
0x11f: {  	v15 =	vld [tilespmem:s8+$0xFFFFFFF0];
	[tilespmem:s5+$0xFFFFFF30] =	vst v16  }
0x120: {  	v16 =	vld.idx.msk [tilespmem:v19+s21+$0x0], $0xffff;
	[tilespmem:s5+$0xFFFFFFD0] =	vst v12  }
0x121: {  	v12 =	vld [tilespmem:s8+$0xFFFFFFC0];
	[tilespmem:s5+$0xFFFFFF60] =	vst v10  }
0x122: {  	[tilespmem:s5+$0xFFFFFF90] =	vst v14;
	v8 =	vld.idx.msk [tilespmem:v8+s21+$0x0], $0xffff  }
0x123: {  	v10 =	vld [tilespmem:s8+$0x20];
	[tilespmem:s5+$0xFFFFFFA0] =	vst v11;
	v11 =	vor.u32 $0x100, v5  }
0x124: {  	v14 =	vld [tilespmem:s8+$0x30];
	[tilespmem:s5+$0x0] =	vst v13;
	v13 =	vor.u32 $0x100, v7  }
0x125: {  	v19 =	vor.u32 $0x100, v6;
	v17 =	vld [tilespmem:s8+$0xFFFFFFD0]  }
0x126: {  	v20 =	vor.u32 $0x180, v4;
	[tilespmem:s5+$0xFFFFFFB0] =	vst v16;
	v9 =	vld.idx.msk [tilespmem:v9+s21+$0x0], $0xffff  }
0x127: {  	v22 =	vor.u32 $0x100, v2;
	v23 =	vor.u32 $0x180, v5;
	v5 =	vor.u32 $0x100, v1;
	v16 =	vld [tilespmem:s8+$0x0]  }
0x128: {  	v24 =	vor.u32 $0x100, v0;
	v4 =	vshll.u32 v12, $0x2;
	v11 =	vld.idx.msk [tilespmem:v11+s21+$0x0], $0xffff;
	[tilespmem:s5+$0xFFFFFFF0] =	vst v8;
	v8 =	vor.u32 $0x100, v3  }
0x129: {  	v4 =	vand.u32 $0xFFFFFE00, v4;
	v25 =	vand.u32 $0x7F, v14;
	v14 =	vshll.u32 v14, $0x2;
	v13 =	vld.idx.msk [tilespmem:v13+s21+$0x0], $0xffff  }
0x12a: {  	v6 =	vor.u32 $0x180, v6;
	v12 =	vand.u32 $0x7F, v12;
	v14 =	vand.u32 $0xFFFFFE00, v14;
	v19 =	vld.idx.msk [tilespmem:v19+s21+$0x0], $0xffff  }
0x12b: {  	v7 =	vor.u32 $0x180, v7;
	v4 =	vor.u32 v12, v4;
	v12 =	vshll.u32 v21, $0x2;
	v20 =	vld.idx.msk [tilespmem:v20+s21+$0x0], $0xffff  }
0x12c: {  	v26 =	vshll.u32 v15, $0x2;
	v14 =	vor.u32 v25, v14;
	v27 =	vshll.u32 v16, $0x2;
	v22 =	vld.idx.msk [tilespmem:v22+s21+$0x0], $0xffff;
	[tilespmem:s5+$0xFFFFFFE0] =	vst v9  }
0x12d: {  	v21 =	vand.u32 $0x7F, v21;
	v9 =	vand.u32 $0xFFFFFE00, v26;
	v16 =	vand.u32 $0x7F, v16;
	v25 =	vld.idx.msk [tilespmem:v5+s21+$0x0], $0xffff  }
0x12e: {  	v12 =	vand.u32 $0xFFFFFE00, v12;
	v26 =	vor.u32 $0x180, v2;
	v5 =	vand.u32 $0xFFFFFE00, v27;
	[tilespmem:s5+$0x50] =	vst v11;
	v8 =	vld.idx.msk [tilespmem:v8+s21+$0x0], $0xffff  }
0x12f: {  	v2 =	vshll.u32 v18, $0x2;
	v11 =	vor.u32 v16, v5;
	v5 =	vor.u32 v21, v12;
	[tilespmem:s5+$0x10] =	vst v13;
	v12 =	vld.idx.msk [tilespmem:v24+s21+$0x0], $0xffff  }
0x130: {  	v2 =	vand.u32 $0xFFFFFE00, v2;
	v13 =	vor.u32 $0x180, v3;
	v3 =	vmov v14;
	v7 =	vld.idx.msk [tilespmem:v7+s21+$0x0], $0xffff;
	[tilespmem:s5+$0x30] =	vst v19  }
0x131: {  	v14 =	vand.u32 $0x7F, v18;
	v18 =	vor.u32 $0x180, v0;
	v0 =	vmovc v11;
	v19 =	vor.u32 $0x180, v1;
	[tilespmem:s5+$0x80] =	vst v20;
	v16 =	vld.idx.msk [tilespmem:v6+s21+$0x0], $0xffff  }
0x132: {  	v21 =	vor.u32 $0x80, v4;
	v2 =	vor.u32 v14, v2;
	v1 =	vand.u32 $0x7F, v15;
	[tilespmem:s5+$0x20] =	vst v22;
	v11 =	vld.idx.msk [tilespmem:v23+s21+$0x0], $0xffff  }
0x133: {  	v6 =	vor.u32 v1, v9;
	v1 =	vshll.u32 v10, $0x2;
	v9 =	vld.idx.msk [tilespmem:v26+s21+$0x0], $0xffff;
	[tilespmem:s5+$0x60] =	vst v25  }
0x134: {  	v10 =	vand.u32 $0x7F, v10;
	v1 =	vand.u32 $0xFFFFFE00, v1;
	v15 =	vld.idx.msk [tilespmem:v4+s21+$0x0], $0xffff;
	[tilespmem:s5+$0x70] =	vst v8  }
0x135: {  	v1 =	vor.u32 v10, v1;
	[tilespmem:s5+$0x40] =	vst v12;
	v22 =	vld.idx.msk [tilespmem:v13+s21+$0x0], $0xffff  }
0x136: {  	v8 =	vshll.u32 v17, $0x2;
	v12 =	vor.u32 $0x80, v5;
	v13 =	vld.idx.msk [tilespmem:v0+s21+$0x0], $0xffff;
	[tilespmem:s5+$0x90] =	vst v7  }
0x137: {  	v10 =	vand.u32 $0xFFFFFE00, v8;
	v8 =	vor.u32 $0x80, v3;
	v7 =	vand.u32 $0x7F, v17;
	[tilespmem:s5+$0xB0] =	vst v16;
	v16 =	vld.idx.msk [tilespmem:v18+s21+$0x0], $0xffff  }
0x138: {  	v7 =	vor.u32 v7, v10;
	[tilespmem:s5+$0xD0] =	vst v11;
	v23 =	vld.idx.msk [tilespmem:v19+s21+$0x0], $0xffff  }
0x139: {  	v14 =	vor.u32 $0x80, v7;
	v11 =	vld.idx.msk [tilespmem:v2+s21+$0x0], $0xffff  }
.Ltmp5:
0x13a: {  	[tilespmem:s15+$0xFFFFFF00] =	vst v15;
	v15 =	vor.u32 $0x80, v2;
	v17 =	vld.idx.msk [tilespmem:v5+s21+$0x0], $0xffff;
	(pc) =	sbr.rel @p0 .LBB2_8-.Ltmp5, $4  }
0x13b: {  	v20 =	vor.u32 $0x80, v0;
	v10 =	vld.idx.msk [tilespmem:v1+s21+$0x0], $0xffff;
	[tilespmem:s5+$0xF0] =	vst v22  }
0x13c: {  	v18 =	vld.idx.msk [tilespmem:v21+s21+$0x0], $0xffff;
	[tilespmem:s5+$0xA0] =	vst v9  }
0x13d: {  	v19 =	vld.idx.msk [tilespmem:v7+s21+$0x0], $0xffff;
	[tilespmem:s5+$0xC0] =	vst v16  }
0x13e: {  	s8 =	sadd.s32 $0x80, s8;
	v9 =	vor.u32 $0x80, v1;
	v16 =	vld.idx.msk [tilespmem:v6+s21+$0x0], $0xffff;
	[tilespmem:s5+$0xE0] =	vst v23;
	s5 =	smov.u32 s15  }
0x13f: {  	_ =	sdelay $0x1  }
0x140: {  	[tilespmem:s5+$0xFFFFFF40] =	vst v13  }
0x141: {  	[tilespmem:s5+$0xFFFFFF50] =	vst v17  }
0x142: {  	v34 =	vld.idx.msk [tilespmem:v3+s21+$0x0], $0xffff;
	[tilespmem:s5+$0xFFFFFF20] =	vst v11  }
0x143: {  	v36 =	vor.u32 $0x80, v6;
	v35 =	vld.idx.msk [tilespmem:v20+s21+$0x0], $0xffff;
	[tilespmem:s5+$0xFFFFFF60] =	vst v10  }
0x144: {  	v37 =	vor.u32 $0x100, v4;
	v12 =	vld.idx.msk [tilespmem:v12+s21+$0x0], $0xffff;
	[tilespmem:s5+$0xFFFFFF80] =	vst v18  }
0x145: {  	v39 =	vld.idx.msk [tilespmem:v15+s21+$0x0], $0xffff;
	[tilespmem:s5+$0xFFFFFF10] =	vst v19  }
0x146: {  	v40 =	vor.u32 $0x100, v5;
	v9 =	vld.idx.msk [tilespmem:v9+s21+$0x0], $0xffff;
	[tilespmem:s5+$0xFFFFFF30] =	vst v16  }
0x147: {  	v46 =	vor.u32 $0x100, v2;
	v38 =	vld.idx.msk [tilespmem:v14+s21+$0x0], $0xffff;
	[tilespmem:s5+$0xFFFFFF70] =	vst v34  }
0x148: {  	v51 =	vor.u32 $0x100, v0;
	v41 =	vld.idx.msk [tilespmem:v36+s21+$0x0], $0xffff;
	[tilespmem:s5+$0xFFFFFFC0] =	vst v35  }
0x149: {  	v49 =	vor.u32 $0x100, v1;
	v43 =	vld.idx.msk [tilespmem:v37+s21+$0x0], $0xffff;
	[tilespmem:s5+$0xFFFFFFD0] =	vst v12  }
0x14a: {  	v42 =	vor.u32 $0x100, v7;
	v8 =	vld.idx.msk [tilespmem:v8+s21+$0x0], $0xffff;
	[tilespmem:s5+$0xFFFFFFA0] =	vst v39  }
0x14b: {  	v44 =	vor.u32 $0x100, v6;
	v47 =	vld.idx.msk [tilespmem:v40+s21+$0x0], $0xffff;
	[tilespmem:s5+$0xFFFFFFE0] =	vst v9  }
0x14c: {  	v45 =	vor.u32 $0x180, v4;
	v54 =	vld.idx.msk [tilespmem:v46+s21+$0x0], $0xffff;
	[tilespmem:s5+$0xFFFFFF90] =	vst v38  }
0x14d: {  	v48 =	vor.u32 $0x100, v3;
	v60 =	vld.idx.msk [tilespmem:v51+s21+$0x0], $0xffff;
	[tilespmem:s5+$0xFFFFFFB0] =	vst v41  }
0x14e: {  	v55 =	vor.u32 $0x180, v5;
	v57 =	vld.idx.msk [tilespmem:v49+s21+$0x0], $0xffff;
	[tilespmem:s5+$0x0] =	vst v43  }
0x14f: {  	v59 =	vor.u32 $0x180, v2;
	v50 =	vld.idx.msk [tilespmem:v42+s21+$0x0], $0xffff;
	[tilespmem:s5+$0xFFFFFFF0] =	vst v8  }
0x150: {  	v61 =	vor.u32 $0x180, v0;
	v12 =	vld.idx.msk [tilespmem:v44+s21+$0x0], $0xffff;
	[tilespmem:s5+$0x50] =	vst v47  }
0x151: {  	v63 =	vor.u32 $0x180, v1;
	v4 =	vld.idx.msk [tilespmem:v45+s21+$0x0], $0xffff;
	[tilespmem:s5+$0x20] =	vst v54  }
0x152: {  	v52 =	vor.u32 $0x180, v7;
	v56 =	vld.idx.msk [tilespmem:v48+s21+$0x0], $0xffff;
	[tilespmem:s5+$0x40] =	vst v60  }
0x153: {  	v53 =	vor.u32 $0x180, v6;
	v5 =	vld.idx.msk [tilespmem:v55+s21+$0x0], $0xffff;
	[tilespmem:s5+$0x60] =	vst v57  }
0x154: {  	v58 =	vor.u32 $0x180, v3;
	v2 =	vld.idx.msk [tilespmem:v59+s21+$0x0], $0xffff;
	[tilespmem:s5+$0x10] =	vst v50  }
0x155: {  	v0 =	vld.idx.msk [tilespmem:v61+s21+$0x0], $0xffff;
	[tilespmem:s5+$0x30] =	vst v12  }
0x156: {  	v1 =	vld.idx.msk [tilespmem:v63+s21+$0x0], $0xffff;
	[tilespmem:s5+$0x80] =	vst v4  }
0x157: {  	v7 =	vld.idx.msk [tilespmem:v52+s21+$0x0], $0xffff;
	[tilespmem:s5+$0x70] =	vst v56  }
0x158: {  	v62 =	vld.idx.msk [tilespmem:v53+s21+$0x0], $0xffff;
	[tilespmem:s5+$0xD0] =	vst v5  }
0x159: {  	v3 =	vld.idx.msk [tilespmem:v58+s21+$0x0], $0xffff;
	[tilespmem:s5+$0xA0] =	vst v2  }
0x15a: {  	[tilespmem:s5+$0xC0] =	vst v0  }
0x15b: {  	[tilespmem:s5+$0xE0] =	vst v1  }
0x15c: {  	s7 =	sadd.s32 s13, s3;
	p0 =	sgt.u32 s2, $0x28;
	[tilespmem:s5+$0x90] =	vst v7  }
0x15d: {  	s2 =	sadd.s32 $0x1, s2;
	s7 =	sshrl.u32 s7, $0x3;
	s3 =	sadd.s32 @!p0 s14, s3;
	[tilespmem:s5+$0xB0] =	vst v62  }
0x15e: {  	s8 =	simm.s32 @!p0 $0x9000;
	s15 =	sadd.s32 s4, s7;
	s3 =	sshrl.u32 @!p0 s3, $0x3;
	[tilespmem:s5+$0xF0] =	vst v3  }
0x15f: {  	[hbm4b:s15+s17] =	stream.strided.scatter [tilespmem:s31], [sflag:$0x6], $0x4000, s18, s17, $0x38;
	[tilespmem:$0x19000] =	vst v63  }
0x160: {  	s7 =	simm.s32 @!p0 $0x400;
	s3 =	sadd.s32 @!p0 s1, s3;
	s5 =	simm.s32 @!p0 $0x200  }
0x161: {  	[tilespmem:s8], [sflag:$0x3] =	stream.strided.gather @!p0 [hbm4b:s3+s5], $0x4000, s7, s5, $0x38;
	[tilespmem:$0x19000] =	vst v63  }
0x162: {  	p0 =	sne.s32 s2, $0x2B  }
.Ltmp6:
0x163: {  	_ = 	snop;
	(pc) =	sbr.rel @p0 .LBB2_2-.Ltmp6, $4  }
.Ltmp7:
0x164: {  	_ = 	snop;
	(pc) =	sbr.rel @!p0 .LBB2_10-.Ltmp7, $4  }
0x165: {  	_ = 	snop  }
0x166: {  	_ = 	snop  }
0x167: {  	_ = 	snop  }
0x168: {  	_ = 	snop  }
.LBB2_11:
0x169: {  	_ =	sfence.sel $0x180000  }
0x16a: {  	[bflag:$0x0] =	sbarrier.arrive $0xFFFF  }
0x16b: {  	_ =	strace $0x90000047  }
0x16c: {  	s0 =	stileid.u32;
	[bflag:$0x2] =	sbarrier.arrive $0xFFFF  }
0x16d: {  	p0 =	sne.s32 s0, $0x0;
	s0 =	rddreg [dreg:$0x3]  }
0x16e: {  	s0 =	sadd.s32 @!p0 $0x100000, s0  }
0x16f: {  	[sflag:s0] =	ssyncadd.tile.s32 @!p0 $0x1;
	_ =	shalt  }
.Lfunc_end2:
_tile_overlayer_lowered:
.L_overlay_start_2:
0x170: {  	(tag) =	ssettag $0x2  }
0x171: {  	s0 =	rddreg [dreg:$0x0];
	s2 =	stileid.u32  }
0x172: {  	s1 =	rddreg [dreg:$0x1];
	p0 =	sne.s32 s2, $0x0  }
0x173: {  	s3 =	rddreg [dreg:$0x2];
	[bflag:$0x3] =	sbarrier.arrive $0xFFFF;
	s2 =	simm.s32 @!p0 $0x1C07  }
0x174: {  	[timem:s3], [sflag:s2] =	dma.local @!p0 [hbm:s0], s1  }
0x175: {  	s0 =	simm.s32 @!p0 $0x7  }
0x176: {  	_ =	swait.ge @!p0 [sflag:s0], s1  }
0x177: {  	s1 =	ssub.s32 @!p0 $0x0, s1;
	[sflag:s0] =	ssyncset.done @!p0 $0x0  }
0x178: {  	[sflag:s0] =	ssyncadd.s32 @!p0 s1  }
0x179: {  	[bflag:$0x3] =	sbarrier.arrive $0xFFFF  }
0x17a: {  	_ =	shalt  }

</sc_bundles>
